<compile_context>
chip_gen: v7x
topology: tpu7x:2x2x1
jax: 0.10.2.dev20260603
libtpu: 0.0.44.dev20260713+nightly
codegen_flags: <defaults>
</compile_context>

<pallas_src>
import functools

import jax
import jax.numpy as jnp
from jax import lax
from jax.experimental import pallas as pl
from jax.experimental.pallas import tpu as pltpu
from jax.experimental.pallas import tpu_sc as plsc

VOCAB = 100000
VEC_DIM = 128
HIDDEN = 256
LABELS = 16
BATCH = 4096
SEQ = 200

NC = 2
NS = 16
NW = NC * NS

IDXW = 128

PACK_BLK = 5000


def _pack_words(e):
  bf = e.astype(jnp.bfloat16)
  bits = lax.bitcast_convert_type(bf, jnp.uint16).astype(jnp.int32)
  return bits[:, :64] | (bits[:, 64:] << 16)


def _pack_kernel(e1_ref, e2_ref, out_ref):
  out_ref[...] = jnp.concatenate(
      [_pack_words(e1_ref[...]), _pack_words(e2_ref[...])], axis=1)


def _pack_table(embed):
  hblk = (VOCAB // 2) // PACK_BLK
  return pl.pallas_call(
      _pack_kernel,
      grid=(hblk,),
      in_specs=[
          pl.BlockSpec((PACK_BLK, VEC_DIM), lambda i: (i, 0)),
          pl.BlockSpec((PACK_BLK, VEC_DIM), lambda i, h=hblk: (i + h, 0)),
      ],
      out_specs=pl.BlockSpec((PACK_BLK, VEC_DIM), lambda i: (i, 0)),
      out_shape=jax.ShapeDtypeStruct((VOCAB // 2, VEC_DIM), jnp.int32),
  )(embed, embed)


def _make_gather_sum(n_batch):
  n_elem_w = n_batch // NW
  rows_w = 2 * n_elem_w
  nring = 4
  assert n_elem_w % nring == 0
  lanes = VEC_DIM // 2
  mesh = plsc.VectorSubcoreMesh(core_axis_name="c", subcore_axis_name="s")

  @functools.partial(
      pl.kernel,
      mesh=mesh,
      out_type=jax.ShapeDtypeStruct((n_batch, VEC_DIM), jnp.float32),
      compiler_params=pltpu.CompilerParams(use_tc_tiling_on_sc=False),
      scratch_types=[
          pltpu.VMEM((rows_w, IDXW), jnp.int32),
      ] + [pltpu.VMEM((SEQ, lanes), jnp.int32) for _ in range(nring)] + [
          pltpu.VMEM((n_elem_w, VEC_DIM), jnp.float32),
      ] + [pltpu.SemaphoreType.DMA for _ in range(nring)],
  )
  def k(table_hbm, xr_hbm, out_hbm, idx_v, *rest):
    bufs = rest[:nring]
    m_local = rest[nring]
    sems = rest[nring + 1:]
    wid = lax.axis_index("s") * NC + lax.axis_index("c")
    pltpu.sync_copy(xr_hbm.at[pl.ds(wid * rows_w, rows_w)], idx_v)

    def gather_elem(b, slot):
      pltpu.make_async_copy(
          table_hbm.at[idx_v.at[2 * b, pl.ds(0, 96)]],
          bufs[slot].at[pl.ds(0, 96)], sems[slot]).start()
      pltpu.make_async_copy(
          table_hbm.at[idx_v.at[2 * b + 1, pl.ds(0, 104)]],
          bufs[slot].at[pl.ds(96, 104)], sems[slot]).start()

    def wait_elem(slot):
      pltpu.make_async_copy(
          table_hbm.at[idx_v.at[0, pl.ds(0, 96)]],
          bufs[slot].at[pl.ds(0, 96)], sems[slot]).wait()
      pltpu.make_async_copy(
          table_hbm.at[idx_v.at[0, pl.ds(0, 104)]],
          bufs[slot].at[pl.ds(96, 104)], sems[slot]).wait()

    def accum_row(buf, j, accs):
      for d in range(4):
        w = buf[j, d * 16:(d + 1) * 16]
        a = lax.bitcast_convert_type(lax.shift_left(w, 16), jnp.float32)
        b = lax.bitcast_convert_type(
            lax.bitwise_and(w, jnp.int32(-65536)), jnp.float32)
        accs[d] = accs[d] + a
        accs[d + 4] = accs[d + 4] + b
      return accs

    def reduce_elem(buf, b):
      def body(j4, accs):
        for u in range(4):
          accs = tuple(accum_row(buf, 4 * j4 + u, list(accs)))
        return accs
      accs = tuple(jnp.zeros((16,), jnp.float32) for _ in range(8))
      accs = lax.fori_loop(0, SEQ // 4, body, accs)
      for d in range(8):
        m_local[b, d * 16:(d + 1) * 16] = accs[d]

    for slot in range(nring - 1):
      gather_elem(slot, slot)

    def outer(g, carry):
      b0 = nring * g
      for s in range(nring):
        @pl.when(b0 + s + nring - 1 < n_elem_w)
        def _(s=s):
          gather_elem(b0 + s + nring - 1, (s + nring - 1) % nring)
        wait_elem(s)
        reduce_elem(bufs[s], b0 + s)
      return carry

    lax.fori_loop(0, n_elem_w // nring, outer, 0)
    pltpu.sync_copy(m_local, out_hbm.at[pl.ds(wid * n_elem_w, n_elem_w)])

  return k


def _mlp_kernel(msum_ref, w1_ref, b1_ref, g_ref, be_ref, w2_ref,
                b2_ref, out_ref):
  m = msum_ref[...] * (1.0 / SEQ)
  h = lax.dot_general(m, w1_ref[...], (((1,), (1,)), ((), ())),
                      preferred_element_type=jnp.float32)
  h = h + b1_ref[...]
  mu = jnp.mean(h, axis=0, keepdims=True)
  d = h - mu
  var = jnp.mean(d * d, axis=0, keepdims=True)
  hn = d * lax.rsqrt(var + 1e-5) * g_ref[...] + be_ref[...]
  a = jnp.maximum(hn, 0.0)
  out_ref[...] = lax.dot_general(a, w2_ref[...], (((1,), (1,)), ((), ())),
                                 preferred_element_type=jnp.float32) + b2_ref[...]


def kernel(X, embed, W1, b1, gamma, beta, W2, b2):
  xi = X.astype(jnp.int32)
  xrm = jnp.where(xi < VOCAB // 2, 2 * xi, 2 * xi - (VOCAB - 1))
  ra = jnp.pad(xrm[:, :96], ((0, 0), (0, IDXW - 96)))
  rb = jnp.pad(xrm[:, 96:], ((0, 0), (0, IDXW - 104)))
  xr = jnp.stack([ra, rb], axis=1).reshape(BATCH * 2, IDXW)
  packed = _pack_table(embed).reshape(VOCAB, VEC_DIM // 2)
  msum = _make_gather_sum(BATCH)(packed, xr)
  out = pl.pallas_call(
      _mlp_kernel,
      out_shape=jax.ShapeDtypeStruct((BATCH, LABELS), jnp.float32),
  )(msum, W1, b1.reshape(1, HIDDEN), gamma.reshape(1, HIDDEN),
    beta.reshape(1, HIDDEN), W2, b2.reshape(1, LABELS))
  return out

# --- scband reference (transcript-rebuilt; emitter-appended) ---
"""Pipeline reference for scband-fast-text-12060268167460 (READ-ONLY COPY).

The authoritative reference and input builder live on the scoring server;
editing this copy changes nothing except your own understanding.
"""

import jax, jax.numpy as jnp
import numpy as np

VOCAB = 100000
VEC_DIM = 128
HIDDEN = 256
LABELS = 16
BATCH = 4096
SEQ = 200

def setup_inputs(seed: int = 0) -> dict:
    key = jax.random.key(seed)
    k1, k2, k3, k4 = jax.random.split(key, 4)
    X = jax.random.randint(k1, (BATCH, SEQ), 0, VOCAB, dtype=jnp.int64 if jax.config.jax_enable_x64 else jnp.int32)
    embed = jax.random.normal(k2, (VOCAB, VEC_DIM), dtype=jnp.float32) * 0.02
    W1 = jax.random.normal(k3, (HIDDEN, VEC_DIM), dtype=jnp.float32) * 0.05
    b1 = jnp.zeros((HIDDEN,), dtype=jnp.float32)
    gamma = jnp.ones((HIDDEN,), dtype=jnp.float32)
    beta = jnp.zeros((HIDDEN,), dtype=jnp.float32)
    W2 = jax.random.normal(k4, (LABELS, HIDDEN), dtype=jnp.float32) * 0.05
    b2 = jnp.zeros((LABELS,), dtype=jnp.float32)
    return {"X": X, "embed": embed, "W1": W1, "b1": b1, "gamma": gamma, "beta": beta, "W2": W2, "b2": b2}

def reference(X, embed, W1, b1, gamma, beta, W2, b2):
    # embedding lookup (gather) over [B, S] indices
    e = jnp.take(embed, X, axis=0)            # [B, S, D]
    m = jnp.mean(e, axis=1)                    # [B, D]
    h = m @ W1.T + b1                          # [B, H]
    # BatchNorm1d (training mode: batch statistics, biased variance)
    mu = jnp.mean(h, axis=0)
    var = jnp.mean((h - mu) ** 2, axis=0)
    hn = (h - mu) / jnp.sqrt(var + 1e-5) * gamma + beta
    a = jax.nn.relu(hn)
    out = a @ W2.T + b2                        # [B, L]
    return out

if __name__ == "__main__":
    import jax
    _d = setup_inputs()
    print(jax.jit(kernel)(*tuple(_d.values())))

</pallas_src>

<mosaic_0001>
#map = affine_map<(d0, d1) -> (0, 0)>
module attributes {stable_mosaic.version = 14 : i64} {
  func.func @k(%arg0: i32, %arg1: i32, %arg2: memref<100000x64xi32, #tpu.memory_space<hbm>>, %arg3: memref<8192x128xi32, #tpu.memory_space<hbm>>, %arg4: memref<4096x128xf32, #tpu.memory_space<hbm>>, %arg5: memref<256x128xi32, #tpu.memory_space<vmem>>, %arg6: memref<200x64xi32, #tpu.memory_space<vmem>>, %arg7: memref<200x64xi32, #tpu.memory_space<vmem>>, %arg8: memref<200x64xi32, #tpu.memory_space<vmem>>, %arg9: memref<200x64xi32, #tpu.memory_space<vmem>>, %arg10: memref<128x128xf32, #tpu.memory_space<vmem>>, %arg11: memref<!tpu.dma_semaphore, #tpu.memory_space<semaphore_mem>>, %arg12: memref<!tpu.dma_semaphore, #tpu.memory_space<semaphore_mem>>, %arg13: memref<!tpu.dma_semaphore, #tpu.memory_space<semaphore_mem>>, %arg14: memref<!tpu.dma_semaphore, #tpu.memory_space<semaphore_mem>>) attributes {dimension_semantics = [#tpu.dimension_semantics<core_parallel>, #tpu.dimension_semantics<subcore_parallel>], iteration_bounds = array<i64: 2, 16>, scalar_prefetch = 0 : i64, scratch_operands = 10 : i64, tpu.core_type = #tpu.core_type<sc_vector_subcore>, window_params = [{transform_indices = #map}, {transform_indices = #map}, {transform_indices = #map}]} {
    %mul3A = arith.constant 2 : i32
    %mul3A_0 = arith.muli %arg1, %mul3A : i32
    %add3A = arith.addi %mul3A_0, %arg0 : i32
    %mul3A_1 = arith.constant 256 : i32
    %mul3A_2 = arith.muli %add3A, %mul3A_1 : i32
    "tpu.region"() ({
      %run_scoped3A = tpu.sem_alloc : memref<!tpu.dma_semaphore, #tpu.memory_space<semaphore_mem>>
      %dma_start3A_69 = arith.constant 0 : i32
      %dma_start3A_70 = tpu.memref_slice %arg3[%mul3A_2, %dma_start3A_69] : memref<8192x128xi32, #tpu.memory_space<hbm>> -> memref<256x128xi32, #tpu.memory_space<hbm>>
      %dma_start3A_71 = arith.constant 0 : i32
      %dma_start3A_72 = tpu.memref_slice %arg3[%mul3A_2, %dma_start3A_71] : memref<8192x128xi32, #tpu.memory_space<hbm>> -> memref<256x128xi32, #tpu.memory_space<hbm>>
      tpu.enqueue_dma source(%dma_start3A_72 : memref<256x128xi32, #tpu.memory_space<hbm>>) target(%arg5 : memref<256x128xi32, #tpu.memory_space<vmem>>) target_semaphore(%run_scoped3A : memref<!tpu.dma_semaphore, #tpu.memory_space<semaphore_mem>>)
      %dma_wait3A = arith.constant 0 : i32
      %dma_wait3A_73 = tpu.memref_slice %arg3[%mul3A_2, %dma_wait3A] : memref<8192x128xi32, #tpu.memory_space<hbm>> -> memref<256x128xi32, #tpu.memory_space<hbm>>
      %dma_wait3A_74 = arith.constant 0 : i32
      %dma_wait3A_75 = tpu.memref_slice %arg3[%mul3A_2, %dma_wait3A_74] : memref<8192x128xi32, #tpu.memory_space<hbm>> -> memref<256x128xi32, #tpu.memory_space<hbm>>
      tpu.wait_dma2 semaphore(%run_scoped3A : memref<!tpu.dma_semaphore, #tpu.memory_space<semaphore_mem>>) src(%dma_wait3A_75 : memref<256x128xi32, #tpu.memory_space<hbm>>) dst(%arg5 : memref<256x128xi32, #tpu.memory_space<vmem>>)
      tpu.yield
    }) : () -> ()
    %dma_start3A = arith.constant 0 : i32
    %dma_start3A_3 = arith.constant 0 : i32
    %dma_start3A_4 = arith.constant 0 : i32
    %dma_start3A_5 = tpu.memref_slice %arg6[%dma_start3A_3, %dma_start3A_4] : memref<200x64xi32, #tpu.memory_space<vmem>> -> memref<96x64xi32, #tpu.memory_space<vmem>>
    %dma_start3A_6 = arith.constant 0 : i32
    %dma_start3A_7 = tpu.memref_slice %arg5[%dma_start3A, %dma_start3A_6] : memref<256x128xi32, #tpu.memory_space<vmem>> -> memref<1x96xi32, #tpu.memory_space<vmem>>
    %dma_start3A_8 = tpu.memref_squeeze %dma_start3A_7 : memref<1x96xi32, #tpu.memory_space<vmem>> -> memref<96xi32, #tpu.memory_space<vmem>>
    %dma_start3A_9 = arith.constant 0 : i32
    %dma_start3A_10 = arith.constant 0 : i32
    %dma_start3A_11 = tpu.memref_slice %arg2[%dma_start3A_9, %dma_start3A_10] : memref<100000x64xi32, #tpu.memory_space<hbm>> -> memref<100000x64xi32, #tpu.memory_space<hbm>>
    tpu.enqueue_indirect_dma source(%dma_start3A_11 : memref<100000x64xi32, #tpu.memory_space<hbm>>) target(%dma_start3A_5 : memref<96x64xi32, #tpu.memory_space<vmem>>) offsets(%dma_start3A_8 : memref<96xi32, #tpu.memory_space<vmem>>) semaphore(%arg11 : memref<!tpu.dma_semaphore, #tpu.memory_space<semaphore_mem>>)
    %dma_start3A_12 = arith.constant 1 : i32
    %dma_start3A_13 = arith.constant 96 : i32
    %dma_start3A_14 = arith.constant 0 : i32
    %dma_start3A_15 = tpu.memref_slice %arg6[%dma_start3A_13, %dma_start3A_14] : memref<200x64xi32, #tpu.memory_space<vmem>> -> memref<104x64xi32, #tpu.memory_space<vmem>>
    %dma_start3A_16 = arith.constant 0 : i32
    %dma_start3A_17 = tpu.memref_slice %arg5[%dma_start3A_12, %dma_start3A_16] : memref<256x128xi32, #tpu.memory_space<vmem>> -> memref<1x104xi32, #tpu.memory_space<vmem>>
    %dma_start3A_18 = tpu.memref_squeeze %dma_start3A_17 : memref<1x104xi32, #tpu.memory_space<vmem>> -> memref<104xi32, #tpu.memory_space<vmem>>
    %dma_start3A_19 = arith.constant 0 : i32
    %dma_start3A_20 = arith.constant 0 : i32
    %dma_start3A_21 = tpu.memref_slice %arg2[%dma_start3A_19, %dma_start3A_20] : memref<100000x64xi32, #tpu.memory_space<hbm>> -> memref<100000x64xi32, #tpu.memory_space<hbm>>
    tpu.enqueue_indirect_dma source(%dma_start3A_21 : memref<100000x64xi32, #tpu.memory_space<hbm>>) target(%dma_start3A_15 : memref<104x64xi32, #tpu.memory_space<vmem>>) offsets(%dma_start3A_18 : memref<104xi32, #tpu.memory_space<vmem>>) semaphore(%arg11 : memref<!tpu.dma_semaphore, #tpu.memory_space<semaphore_mem>>)
    %dma_start3A_22 = arith.constant 2 : i32
    %dma_start3A_23 = arith.constant 0 : i32
    %dma_start3A_24 = arith.constant 0 : i32
    %dma_start3A_25 = tpu.memref_slice %arg7[%dma_start3A_23, %dma_start3A_24] : memref<200x64xi32, #tpu.memory_space<vmem>> -> memref<96x64xi32, #tpu.memory_space<vmem>>
    %dma_start3A_26 = arith.constant 0 : i32
    %dma_start3A_27 = tpu.memref_slice %arg5[%dma_start3A_22, %dma_start3A_26] : memref<256x128xi32, #tpu.memory_space<vmem>> -> memref<1x96xi32, #tpu.memory_space<vmem>>
    %dma_start3A_28 = tpu.memref_squeeze %dma_start3A_27 : memref<1x96xi32, #tpu.memory_space<vmem>> -> memref<96xi32, #tpu.memory_space<vmem>>
    %dma_start3A_29 = arith.constant 0 : i32
    %dma_start3A_30 = arith.constant 0 : i32
    %dma_start3A_31 = tpu.memref_slice %arg2[%dma_start3A_29, %dma_start3A_30] : memref<100000x64xi32, #tpu.memory_space<hbm>> -> memref<100000x64xi32, #tpu.memory_space<hbm>>
    tpu.enqueue_indirect_dma source(%dma_start3A_31 : memref<100000x64xi32, #tpu.memory_space<hbm>>) target(%dma_start3A_25 : memref<96x64xi32, #tpu.memory_space<vmem>>) offsets(%dma_start3A_28 : memref<96xi32, #tpu.memory_space<vmem>>) semaphore(%arg12 : memref<!tpu.dma_semaphore, #tpu.memory_space<semaphore_mem>>)
    %dma_start3A_32 = arith.constant 3 : i32
    %dma_start3A_33 = arith.constant 96 : i32
    %dma_start3A_34 = arith.constant 0 : i32
    %dma_start3A_35 = tpu.memref_slice %arg7[%dma_start3A_33, %dma_start3A_34] : memref<200x64xi32, #tpu.memory_space<vmem>> -> memref<104x64xi32, #tpu.memory_space<vmem>>
    %dma_start3A_36 = arith.constant 0 : i32
    %dma_start3A_37 = tpu.memref_slice %arg5[%dma_start3A_32, %dma_start3A_36] : memref<256x128xi32, #tpu.memory_space<vmem>> -> memref<1x104xi32, #tpu.memory_space<vmem>>
    %dma_start3A_38 = tpu.memref_squeeze %dma_start3A_37 : memref<1x104xi32, #tpu.memory_space<vmem>> -> memref<104xi32, #tpu.memory_space<vmem>>
    %dma_start3A_39 = arith.constant 0 : i32
    %dma_start3A_40 = arith.constant 0 : i32
    %dma_start3A_41 = tpu.memref_slice %arg2[%dma_start3A_39, %dma_start3A_40] : memref<100000x64xi32, #tpu.memory_space<hbm>> -> memref<100000x64xi32, #tpu.memory_space<hbm>>
    tpu.enqueue_indirect_dma source(%dma_start3A_41 : memref<100000x64xi32, #tpu.memory_space<hbm>>) target(%dma_start3A_35 : memref<104x64xi32, #tpu.memory_space<vmem>>) offsets(%dma_start3A_38 : memref<104xi32, #tpu.memory_space<vmem>>) semaphore(%arg12 : memref<!tpu.dma_semaphore, #tpu.memory_space<semaphore_mem>>)
    %dma_start3A_42 = arith.constant 4 : i32
    %dma_start3A_43 = arith.constant 0 : i32
    %dma_start3A_44 = arith.constant 0 : i32
    %dma_start3A_45 = tpu.memref_slice %arg8[%dma_start3A_43, %dma_start3A_44] : memref<200x64xi32, #tpu.memory_space<vmem>> -> memref<96x64xi32, #tpu.memory_space<vmem>>
    %dma_start3A_46 = arith.constant 0 : i32
    %dma_start3A_47 = tpu.memref_slice %arg5[%dma_start3A_42, %dma_start3A_46] : memref<256x128xi32, #tpu.memory_space<vmem>> -> memref<1x96xi32, #tpu.memory_space<vmem>>
    %dma_start3A_48 = tpu.memref_squeeze %dma_start3A_47 : memref<1x96xi32, #tpu.memory_space<vmem>> -> memref<96xi32, #tpu.memory_space<vmem>>
    %dma_start3A_49 = arith.constant 0 : i32
    %dma_start3A_50 = arith.constant 0 : i32
    %dma_start3A_51 = tpu.memref_slice %arg2[%dma_start3A_49, %dma_start3A_50] : memref<100000x64xi32, #tpu.memory_space<hbm>> -> memref<100000x64xi32, #tpu.memory_space<hbm>>
    tpu.enqueue_indirect_dma source(%dma_start3A_51 : memref<100000x64xi32, #tpu.memory_space<hbm>>) target(%dma_start3A_45 : memref<96x64xi32, #tpu.memory_space<vmem>>) offsets(%dma_start3A_48 : memref<96xi32, #tpu.memory_space<vmem>>) semaphore(%arg13 : memref<!tpu.dma_semaphore, #tpu.memory_space<semaphore_mem>>)
    %dma_start3A_52 = arith.constant 5 : i32
    %dma_start3A_53 = arith.constant 96 : i32
    %dma_start3A_54 = arith.constant 0 : i32
    %dma_start3A_55 = tpu.memref_slice %arg8[%dma_start3A_53, %dma_start3A_54] : memref<200x64xi32, #tpu.memory_space<vmem>> -> memref<104x64xi32, #tpu.memory_space<vmem>>
    %dma_start3A_56 = arith.constant 0 : i32
    %dma_start3A_57 = tpu.memref_slice %arg5[%dma_start3A_52, %dma_start3A_56] : memref<256x128xi32, #tpu.memory_space<vmem>> -> memref<1x104xi32, #tpu.memory_space<vmem>>
    %dma_start3A_58 = tpu.memref_squeeze %dma_start3A_57 : memref<1x104xi32, #tpu.memory_space<vmem>> -> memref<104xi32, #tpu.memory_space<vmem>>
    %dma_start3A_59 = arith.constant 0 : i32
    %dma_start3A_60 = arith.constant 0 : i32
    %dma_start3A_61 = tpu.memref_slice %arg2[%dma_start3A_59, %dma_start3A_60] : memref<100000x64xi32, #tpu.memory_space<hbm>> -> memref<100000x64xi32, #tpu.memory_space<hbm>>
    tpu.enqueue_indirect_dma source(%dma_start3A_61 : memref<100000x64xi32, #tpu.memory_space<hbm>>) target(%dma_start3A_55 : memref<104x64xi32, #tpu.memory_space<vmem>>) offsets(%dma_start3A_58 : memref<104xi32, #tpu.memory_space<vmem>>) semaphore(%arg13 : memref<!tpu.dma_semaphore, #tpu.memory_space<semaphore_mem>>)
    %scan3A = arith.constant 0 : i32
    %scan3A_62 = arith.constant 0 : i32
    %scan3A_63 = arith.constant 32 : i32
    %scan3A_64 = arith.addi %scan3A_62, %scan3A_63 : i32
    %scan3A_65 = arith.constant 1 : i32
    scf.for %scan3A_69 = %scan3A_62 to %scan3A_64 step %scan3A_65  : i32 {
      %mul3A_70 = arith.constant 4 : i32
      %mul3A_71 = arith.muli %mul3A_70, %scan3A_69 : i32
      %add3A_72 = arith.constant 0 : i32
      %add3A_73 = arith.addi %mul3A_71, %add3A_72 : i32
      %add3A_74 = arith.constant 4 : i32
      %add3A_75 = arith.addi %add3A_73, %add3A_74 : i32
      %sub3A = arith.constant 1 : i32
      %sub3A_76 = arith.subi %add3A_75, %sub3A : i32
      %lt3A = arith.constant 128 : i32
      %lt3A_77 = arith.cmpi slt, %sub3A_76, %lt3A : i32
      %convert_element_type3A = arith.extui %lt3A_77 : i1 to i32
      %cond3A = arith.constant 0 : i32
      %cond3A_78 = arith.cmpi ne, %convert_element_type3A, %cond3A : i32
      scf.if %cond3A_78 {
        %add3A_445 = arith.constant 0 : i32
        %add3A_446 = arith.addi %mul3A_71, %add3A_445 : i32
        %add3A_447 = arith.constant 4 : i32
        %add3A_448 = arith.addi %add3A_446, %add3A_447 : i32
        %sub3A_449 = arith.constant 1 : i32
        %sub3A_450 = arith.subi %add3A_448, %sub3A_449 : i32
        %mul3A_451 = arith.constant 2 : i32
        %mul3A_452 = arith.muli %mul3A_451, %sub3A_450 : i32
        %dma_start3A_453 = arith.constant 0 : i32
        %dma_start3A_454 = arith.constant 0 : i32
        %dma_start3A_455 = tpu.memref_slice %arg9[%dma_start3A_453, %dma_start3A_454] : memref<200x64xi32, #tpu.memory_space<vmem>> -> memref<96x64xi32, #tpu.memory_space<vmem>>
        %dma_start3A_456 = arith.constant 0 : i32
        %dma_start3A_457 = tpu.memref_slice %arg5[%mul3A_452, %dma_start3A_456] : memref<256x128xi32, #tpu.memory_space<vmem>> -> memref<1x96xi32, #tpu.memory_space<vmem>>
        %dma_start3A_458 = tpu.memref_squeeze %dma_start3A_457 : memref<1x96xi32, #tpu.memory_space<vmem>> -> memref<96xi32, #tpu.memory_space<vmem>>
        %dma_start3A_459 = arith.constant 0 : i32
        %dma_start3A_460 = arith.constant 0 : i32
        %dma_start3A_461 = tpu.memref_slice %arg2[%dma_start3A_459, %dma_start3A_460] : memref<100000x64xi32, #tpu.memory_space<hbm>> -> memref<100000x64xi32, #tpu.memory_space<hbm>>
        tpu.enqueue_indirect_dma source(%dma_start3A_461 : memref<100000x64xi32, #tpu.memory_space<hbm>>) target(%dma_start3A_455 : memref<96x64xi32, #tpu.memory_space<vmem>>) offsets(%dma_start3A_458 : memref<96xi32, #tpu.memory_space<vmem>>) semaphore(%arg14 : memref<!tpu.dma_semaphore, #tpu.memory_space<semaphore_mem>>)
        %mul3A_462 = arith.constant 2 : i32
        %mul3A_463 = arith.muli %mul3A_462, %sub3A_450 : i32
        %add3A_464 = arith.constant 1 : i32
        %add3A_465 = arith.addi %mul3A_463, %add3A_464 : i32
        %dma_start3A_466 = arith.constant 96 : i32
        %dma_start3A_467 = arith.constant 0 : i32
        %dma_start3A_468 = tpu.memref_slice %arg9[%dma_start3A_466, %dma_start3A_467] : memref<200x64xi32, #tpu.memory_space<vmem>> -> memref<104x64xi32, #tpu.memory_space<vmem>>
        %dma_start3A_469 = arith.constant 0 : i32
        %dma_start3A_470 = tpu.memref_slice %arg5[%add3A_465, %dma_start3A_469] : memref<256x128xi32, #tpu.memory_space<vmem>> -> memref<1x104xi32, #tpu.memory_space<vmem>>
        %dma_start3A_471 = tpu.memref_squeeze %dma_start3A_470 : memref<1x104xi32, #tpu.memory_space<vmem>> -> memref<104xi32, #tpu.memory_space<vmem>>
        %dma_start3A_472 = arith.constant 0 : i32
        %dma_start3A_473 = arith.constant 0 : i32
        %dma_start3A_474 = tpu.memref_slice %arg2[%dma_start3A_472, %dma_start3A_473] : memref<100000x64xi32, #tpu.memory_space<hbm>> -> memref<100000x64xi32, #tpu.memory_space<hbm>>
        tpu.enqueue_indirect_dma source(%dma_start3A_474 : memref<100000x64xi32, #tpu.memory_space<hbm>>) target(%dma_start3A_468 : memref<104x64xi32, #tpu.memory_space<vmem>>) offsets(%dma_start3A_471 : memref<104xi32, #tpu.memory_space<vmem>>) semaphore(%arg14 : memref<!tpu.dma_semaphore, #tpu.memory_space<semaphore_mem>>)
      } else {
      }
      %dma_wait3A = arith.constant 0 : i32
      %dma_wait3A_79 = arith.constant 0 : i32
      %dma_wait3A_80 = arith.constant 0 : i32
      %dma_wait3A_81 = tpu.memref_slice %arg6[%dma_wait3A_79, %dma_wait3A_80] : memref<200x64xi32, #tpu.memory_space<vmem>> -> memref<96x64xi32, #tpu.memory_space<vmem>>
      %dma_wait3A_82 = arith.constant 0 : i32
      %dma_wait3A_83 = tpu.memref_slice %arg5[%dma_wait3A, %dma_wait3A_82] : memref<256x128xi32, #tpu.memory_space<vmem>> -> memref<1x96xi32, #tpu.memory_space<vmem>>
      %dma_wait3A_84 = tpu.memref_squeeze %dma_wait3A_83 : memref<1x96xi32, #tpu.memory_space<vmem>> -> memref<96xi32, #tpu.memory_space<vmem>>
      %dma_wait3A_85 = arith.constant 0 : i32
      %dma_wait3A_86 = arith.constant 0 : i32
      %dma_wait3A_87 = tpu.memref_slice %arg2[%dma_wait3A_85, %dma_wait3A_86] : memref<100000x64xi32, #tpu.memory_space<hbm>> -> memref<100000x64xi32, #tpu.memory_space<hbm>>
      tpu.wait_indirect_dma semaphore(%arg11 : memref<!tpu.dma_semaphore, #tpu.memory_space<semaphore_mem>>) src(%dma_wait3A_87 : memref<100000x64xi32, #tpu.memory_space<hbm>>) dst(%dma_wait3A_81 : memref<96x64xi32, #tpu.memory_space<vmem>>)
      %dma_wait3A_88 = arith.constant 0 : i32
      %dma_wait3A_89 = arith.constant 96 : i32
      %dma_wait3A_90 = arith.constant 0 : i32
      %dma_wait3A_91 = tpu.memref_slice %arg6[%dma_wait3A_89, %dma_wait3A_90] : memref<200x64xi32, #tpu.memory_space<vmem>> -> memref<104x64xi32, #tpu.memory_space<vmem>>
      %dma_wait3A_92 = arith.constant 0 : i32
      %dma_wait3A_93 = tpu.memref_slice %arg5[%dma_wait3A_88, %dma_wait3A_92] : memref<256x128xi32, #tpu.memory_space<vmem>> -> memref<1x104xi32, #tpu.memory_space<vmem>>
      %dma_wait3A_94 = tpu.memref_squeeze %dma_wait3A_93 : memref<1x104xi32, #tpu.memory_space<vmem>> -> memref<104xi32, #tpu.memory_space<vmem>>
      %dma_wait3A_95 = arith.constant 0 : i32
      %dma_wait3A_96 = arith.constant 0 : i32
      %dma_wait3A_97 = tpu.memref_slice %arg2[%dma_wait3A_95, %dma_wait3A_96] : memref<100000x64xi32, #tpu.memory_space<hbm>> -> memref<100000x64xi32, #tpu.memory_space<hbm>>
      tpu.wait_indirect_dma semaphore(%arg11 : memref<!tpu.dma_semaphore, #tpu.memory_space<semaphore_mem>>) src(%dma_wait3A_97 : memref<100000x64xi32, #tpu.memory_space<hbm>>) dst(%dma_wait3A_91 : memref<104x64xi32, #tpu.memory_space<vmem>>)
      %add3A_98 = arith.constant 0 : i32
      %add3A_99 = arith.addi %mul3A_71, %add3A_98 : i32
      %broadcast_in_dim3A = arith.constant 0.000000e+00 : f32
      %broadcast_in_dim3A_100 = vector.broadcast %broadcast_in_dim3A : f32 to vector<16xf32>
      %broadcast_in_dim3A_101 = arith.constant 0.000000e+00 : f32
      %broadcast_in_dim3A_102 = vector.broadcast %broadcast_in_dim3A_101 : f32 to vector<16xf32>
      %broadcast_in_dim3A_103 = arith.constant 0.000000e+00 : f32
      %broadcast_in_dim3A_104 = vector.broadcast %broadcast_in_dim3A_103 : f32 to vector<16xf32>
      %broadcast_in_dim3A_105 = arith.constant 0.000000e+00 : f32
      %broadcast_in_dim3A_106 = vector.broadcast %broadcast_in_dim3A_105 : f32 to vector<16xf32>
      %broadcast_in_dim3A_107 = arith.constant 0.000000e+00 : f32
      %broadcast_in_dim3A_108 = vector.broadcast %broadcast_in_dim3A_107 : f32 to vector<16xf32>
      %broadcast_in_dim3A_109 = arith.constant 0.000000e+00 : f32
      %broadcast_in_dim3A_110 = vector.broadcast %broadcast_in_dim3A_109 : f32 to vector<16xf32>
      %broadcast_in_dim3A_111 = arith.constant 0.000000e+00 : f32
      %broadcast_in_dim3A_112 = vector.broadcast %broadcast_in_dim3A_111 : f32 to vector<16xf32>
      %broadcast_in_dim3A_113 = arith.constant 0.000000e+00 : f32
      %broadcast_in_dim3A_114 = vector.broadcast %broadcast_in_dim3A_113 : f32 to vector<16xf32>
      %scan3A_115 = arith.constant 0 : i32
      %scan3A_116 = arith.constant 50 : i32
      %scan3A_117 = arith.addi %scan3A_115, %scan3A_116 : i32
      %scan3A_118 = arith.constant 1 : i32
      %scan3A_119:8 = scf.for %scan3A_445 = %scan3A_115 to %scan3A_117 step %scan3A_118 iter_args(%scan3A_446 = %broadcast_in_dim3A_100, %scan3A_447 = %broadcast_in_dim3A_102, %scan3A_448 = %broadcast_in_dim3A_104, %scan3A_449 = %broadcast_in_dim3A_106, %scan3A_450 = %broadcast_in_dim3A_108, %scan3A_451 = %broadcast_in_dim3A_110, %scan3A_452 = %broadcast_in_dim3A_112, %scan3A_453 = %broadcast_in_dim3A_114) -> (vector<16xf32>, vector<16xf32>, vector<16xf32>, vector<16xf32>, vector<16xf32>, vector<16xf32>, vector<16xf32>, vector<16xf32>)  : i32 {
        %mul3A_454 = arith.constant 4 : i32
        %mul3A_455 = arith.muli %mul3A_454, %scan3A_445 : i32
        %add3A_456 = arith.constant 0 : i32
        %add3A_457 = arith.addi %mul3A_455, %add3A_456 : i32
        %get3A = arith.index_cast %add3A_457 : i32 to index
        %get3A_458 = arith.constant 0 : index
        %get3A_459 = tpu.vector_load %arg6[%get3A, %get3A_458] {strides = array<i32>} : memref<200x64xi32, #tpu.memory_space<vmem>>, vector<1x16xi32>,
        %get3A_460 = vector.shape_cast %get3A_459 : vector<1x16xi32> to vector<16xi32>
        %shift_left3A = arith.constant 16 : i32
        %shift_left3A_461 = vector.broadcast %shift_left3A : i32 to vector<16xi32>
        %shift_left3A_462 = arith.shli %get3A_460, %shift_left3A_461 : vector<16xi32>
        %bitcast_convert_type3A = tpu.bitcast %shift_left3A_462 : vector<16xi32> -> vector<16xf32>
        %and3A = arith.constant -65536 : i32
        %and3A_463 = vector.broadcast %and3A : i32 to vector<16xi32>
        %and3A_464 = arith.andi %get3A_460, %and3A_463 : vector<16xi32>
        %bitcast_convert_type3A_465 = tpu.bitcast %and3A_464 : vector<16xi32> -> vector<16xf32>
        %add3A_466 = arith.addf %scan3A_446, %bitcast_convert_type3A : vector<16xf32>
        %add3A_467 = arith.addf %scan3A_450, %bitcast_convert_type3A_465 : vector<16xf32>
        %get3A_468 = arith.index_cast %add3A_457 : i32 to index
        %get3A_469 = arith.constant 16 : index
        %get3A_470 = tpu.vector_load %arg6[%get3A_468, %get3A_469] {strides = array<i32>} : memref<200x64xi32, #tpu.memory_space<vmem>>, vector<1x16xi32>,
        %get3A_471 = vector.shape_cast %get3A_470 : vector<1x16xi32> to vector<16xi32>
        %shift_left3A_472 = arith.constant 16 : i32
        %shift_left3A_473 = vector.broadcast %shift_left3A_472 : i32 to vector<16xi32>
        %shift_left3A_474 = arith.shli %get3A_471, %shift_left3A_473 : vector<16xi32>
        %bitcast_convert_type3A_475 = tpu.bitcast %shift_left3A_474 : vector<16xi32> -> vector<16xf32>
        %and3A_476 = arith.constant -65536 : i32
        %and3A_477 = vector.broadcast %and3A_476 : i32 to vector<16xi32>
        %and3A_478 = arith.andi %get3A_471, %and3A_477 : vector<16xi32>
        %bitcast_convert_type3A_479 = tpu.bitcast %and3A_478 : vector<16xi32> -> vector<16xf32>
        %add3A_480 = arith.addf %scan3A_447, %bitcast_convert_type3A_475 : vector<16xf32>
        %add3A_481 = arith.addf %scan3A_451, %bitcast_convert_type3A_479 : vector<16xf32>
        %get3A_482 = arith.index_cast %add3A_457 : i32 to index
        %get3A_483 = arith.constant 32 : index
        %get3A_484 = tpu.vector_load %arg6[%get3A_482, %get3A_483] {strides = array<i32>} : memref<200x64xi32, #tpu.memory_space<vmem>>, vector<1x16xi32>,
        %get3A_485 = vector.shape_cast %get3A_484 : vector<1x16xi32> to vector<16xi32>
        %shift_left3A_486 = arith.constant 16 : i32
        %shift_left3A_487 = vector.broadcast %shift_left3A_486 : i32 to vector<16xi32>
        %shift_left3A_488 = arith.shli %get3A_485, %shift_left3A_487 : vector<16xi32>
        %bitcast_convert_type3A_489 = tpu.bitcast %shift_left3A_488 : vector<16xi32> -> vector<16xf32>
        %and3A_490 = arith.constant -65536 : i32
        %and3A_491 = vector.broadcast %and3A_490 : i32 to vector<16xi32>
        %and3A_492 = arith.andi %get3A_485, %and3A_491 : vector<16xi32>
        %bitcast_convert_type3A_493 = tpu.bitcast %and3A_492 : vector<16xi32> -> vector<16xf32>
        %add3A_494 = arith.addf %scan3A_448, %bitcast_convert_type3A_489 : vector<16xf32>
        %add3A_495 = arith.addf %scan3A_452, %bitcast_convert_type3A_493 : vector<16xf32>
        %get3A_496 = arith.index_cast %add3A_457 : i32 to index
        %get3A_497 = arith.constant 48 : index
        %get3A_498 = tpu.vector_load %arg6[%get3A_496, %get3A_497] {strides = array<i32>} : memref<200x64xi32, #tpu.memory_space<vmem>>, vector<1x16xi32>,
        %get3A_499 = vector.shape_cast %get3A_498 : vector<1x16xi32> to vector<16xi32>
        %shift_left3A_500 = arith.constant 16 : i32
        %shift_left3A_501 = vector.broadcast %shift_left3A_500 : i32 to vector<16xi32>
        %shift_left3A_502 = arith.shli %get3A_499, %shift_left3A_501 : vector<16xi32>
        %bitcast_convert_type3A_503 = tpu.bitcast %shift_left3A_502 : vector<16xi32> -> vector<16xf32>
        %and3A_504 = arith.constant -65536 : i32
        %and3A_505 = vector.broadcast %and3A_504 : i32 to vector<16xi32>
        %and3A_506 = arith.andi %get3A_499, %and3A_505 : vector<16xi32>
        %bitcast_convert_type3A_507 = tpu.bitcast %and3A_506 : vector<16xi32> -> vector<16xf32>
        %add3A_508 = arith.addf %scan3A_449, %bitcast_convert_type3A_503 : vector<16xf32>
        %add3A_509 = arith.addf %scan3A_453, %bitcast_convert_type3A_507 : vector<16xf32>
        %mul3A_510 = arith.constant 4 : i32
        %mul3A_511 = arith.muli %mul3A_510, %scan3A_445 : i32
        %add3A_512 = arith.constant 1 : i32
        %add3A_513 = arith.addi %mul3A_511, %add3A_512 : i32
        %get3A_514 = arith.index_cast %add3A_513 : i32 to index
        %get3A_515 = arith.constant 0 : index
        %get3A_516 = tpu.vector_load %arg6[%get3A_514, %get3A_515] {strides = array<i32>} : memref<200x64xi32, #tpu.memory_space<vmem>>, vector<1x16xi32>,
        %get3A_517 = vector.shape_cast %get3A_516 : vector<1x16xi32> to vector<16xi32>
        %shift_left3A_518 = arith.constant 16 : i32
        %shift_left3A_519 = vector.broadcast %shift_left3A_518 : i32 to vector<16xi32>
        %shift_left3A_520 = arith.shli %get3A_517, %shift_left3A_519 : vector<16xi32>
        %bitcast_convert_type3A_521 = tpu.bitcast %shift_left3A_520 : vector<16xi32> -> vector<16xf32>
        %and3A_522 = arith.constant -65536 : i32
        %and3A_523 = vector.broadcast %and3A_522 : i32 to vector<16xi32>
        %and3A_524 = arith.andi %get3A_517, %and3A_523 : vector<16xi32>
        %bitcast_convert_type3A_525 = tpu.bitcast %and3A_524 : vector<16xi32> -> vector<16xf32>
        %add3A_526 = arith.addf %add3A_466, %bitcast_convert_type3A_521 : vector<16xf32>
        %add3A_527 = arith.addf %add3A_467, %bitcast_convert_type3A_525 : vector<16xf32>
        %get3A_528 = arith.index_cast %add3A_513 : i32 to index
        %get3A_529 = arith.constant 16 : index
        %get3A_530 = tpu.vector_load %arg6[%get3A_528, %get3A_529] {strides = array<i32>} : memref<200x64xi32, #tpu.memory_space<vmem>>, vector<1x16xi32>,
        %get3A_531 = vector.shape_cast %get3A_530 : vector<1x16xi32> to vector<16xi32>
        %shift_left3A_532 = arith.constant 16 : i32
        %shift_left3A_533 = vector.broadcast %shift_left3A_532 : i32 to vector<16xi32>
        %shift_left3A_534 = arith.shli %get3A_531, %shift_left3A_533 : vector<16xi32>
        %bitcast_convert_type3A_535 = tpu.bitcast %shift_left3A_534 : vector<16xi32> -> vector<16xf32>
        %and3A_536 = arith.constant -65536 : i32
        %and3A_537 = vector.broadcast %and3A_536 : i32 to vector<16xi32>
        %and3A_538 = arith.andi %get3A_531, %and3A_537 : vector<16xi32>
        %bitcast_convert_type3A_539 = tpu.bitcast %and3A_538 : vector<16xi32> -> vector<16xf32>
        %add3A_540 = arith.addf %add3A_480, %bitcast_convert_type3A_535 : vector<16xf32>
        %add3A_541 = arith.addf %add3A_481, %bitcast_convert_type3A_539 : vector<16xf32>
        %get3A_542 = arith.index_cast %add3A_513 : i32 to index
        %get3A_543 = arith.constant 32 : index
        %get3A_544 = tpu.vector_load %arg6[%get3A_542, %get3A_543] {strides = array<i32>} : memref<200x64xi32, #tpu.memory_space<vmem>>, vector<1x16xi32>,
        %get3A_545 = vector.shape_cast %get3A_544 : vector<1x16xi32> to vector<16xi32>
        %shift_left3A_546 = arith.constant 16 : i32
        %shift_left3A_547 = vector.broadcast %shift_left3A_546 : i32 to vector<16xi32>
        %shift_left3A_548 = arith.shli %get3A_545, %shift_left3A_547 : vector<16xi32>
        %bitcast_convert_type3A_549 = tpu.bitcast %shift_left3A_548 : vector<16xi32> -> vector<16xf32>
        %and3A_550 = arith.constant -65536 : i32
        %and3A_551 = vector.broadcast %and3A_550 : i32 to vector<16xi32>
        %and3A_552 = arith.andi %get3A_545, %and3A_551 : vector<16xi32>
        %bitcast_convert_type3A_553 = tpu.bitcast %and3A_552 : vector<16xi32> -> vector<16xf32>
        %add3A_554 = arith.addf %add3A_494, %bitcast_convert_type3A_549 : vector<16xf32>
        %add3A_555 = arith.addf %add3A_495, %bitcast_convert_type3A_553 : vector<16xf32>
        %get3A_556 = arith.index_cast %add3A_513 : i32 to index
        %get3A_557 = arith.constant 48 : index
        %get3A_558 = tpu.vector_load %arg6[%get3A_556, %get3A_557] {strides = array<i32>} : memref<200x64xi32, #tpu.memory_space<vmem>>, vector<1x16xi32>,
        %get3A_559 = vector.shape_cast %get3A_558 : vector<1x16xi32> to vector<16xi32>
        %shift_left3A_560 = arith.constant 16 : i32
        %shift_left3A_561 = vector.broadcast %shift_left3A_560 : i32 to vector<16xi32>
        %shift_left3A_562 = arith.shli %get3A_559, %shift_left3A_561 : vector<16xi32>
        %bitcast_convert_type3A_563 = tpu.bitcast %shift_left3A_562 : vector<16xi32> -> vector<16xf32>
        %and3A_564 = arith.constant -65536 : i32
        %and3A_565 = vector.broadcast %and3A_564 : i32 to vector<16xi32>
        %and3A_566 = arith.andi %get3A_559, %and3A_565 : vector<16xi32>
        %bitcast_convert_type3A_567 = tpu.bitcast %and3A_566 : vector<16xi32> -> vector<16xf32>
        %add3A_568 = arith.addf %add3A_508, %bitcast_convert_type3A_563 : vector<16xf32>
        %add3A_569 = arith.addf %add3A_509, %bitcast_convert_type3A_567 : vector<16xf32>
        %mul3A_570 = arith.constant 4 : i32
        %mul3A_571 = arith.muli %mul3A_570, %scan3A_445 : i32
        %add3A_572 = arith.constant 2 : i32
        %add3A_573 = arith.addi %mul3A_571, %add3A_572 : i32
        %get3A_574 = arith.index_cast %add3A_573 : i32 to index
        %get3A_575 = arith.constant 0 : index
        %get3A_576 = tpu.vector_load %arg6[%get3A_574, %get3A_575] {strides = array<i32>} : memref<200x64xi32, #tpu.memory_space<vmem>>, vector<1x16xi32>,
        %get3A_577 = vector.shape_cast %get3A_576 : vector<1x16xi32> to vector<16xi32>
        %shift_left3A_578 = arith.constant 16 : i32
        %shift_left3A_579 = vector.broadcast %shift_left3A_578 : i32 to vector<16xi32>
        %shift_left3A_580 = arith.shli %get3A_577, %shift_left3A_579 : vector<16xi32>
        %bitcast_convert_type3A_581 = tpu.bitcast %shift_left3A_580 : vector<16xi32> -> vector<16xf32>
        %and3A_582 = arith.constant -65536 : i32
        %and3A_583 = vector.broadcast %and3A_582 : i32 to vector<16xi32>
        %and3A_584 = arith.andi %get3A_577, %and3A_583 : vector<16xi32>
        %bitcast_convert_type3A_585 = tpu.bitcast %and3A_584 : vector<16xi32> -> vector<16xf32>
        %add3A_586 = arith.addf %add3A_526, %bitcast_convert_type3A_581 : vector<16xf32>
        %add3A_587 = arith.addf %add3A_527, %bitcast_convert_type3A_585 : vector<16xf32>
        %get3A_588 = arith.index_cast %add3A_573 : i32 to index
        %get3A_589 = arith.constant 16 : index
        %get3A_590 = tpu.vector_load %arg6[%get3A_588, %get3A_589] {strides = array<i32>} : memref<200x64xi32, #tpu.memory_space<vmem>>, vector<1x16xi32>,
        %get3A_591 = vector.shape_cast %get3A_590 : vector<1x16xi32> to vector<16xi32>
        %shift_left3A_592 = arith.constant 16 : i32
        %shift_left3A_593 = vector.broadcast %shift_left3A_592 : i32 to vector<16xi32>
        %shift_left3A_594 = arith.shli %get3A_591, %shift_left3A_593 : vector<16xi32>
        %bitcast_convert_type3A_595 = tpu.bitcast %shift_left3A_594 : vector<16xi32> -> vector<16xf32>
        %and3A_596 = arith.constant -65536 : i32
        %and3A_597 = vector.broadcast %and3A_596 : i32 to vector<16xi32>
        %and3A_598 = arith.andi %get3A_591, %and3A_597 : vector<16xi32>
        %bitcast_convert_type3A_599 = tpu.bitcast %and3A_598 : vector<16xi32> -> vector<16xf32>
        %add3A_600 = arith.addf %add3A_540, %bitcast_convert_type3A_595 : vector<16xf32>
        %add3A_601 = arith.addf %add3A_541, %bitcast_convert_type3A_599 : vector<16xf32>
        %get3A_602 = arith.index_cast %add3A_573 : i32 to index
        %get3A_603 = arith.constant 32 : index
        %get3A_604 = tpu.vector_load %arg6[%get3A_602, %get3A_603] {strides = array<i32>} : memref<200x64xi32, #tpu.memory_space<vmem>>, vector<1x16xi32>,
        %get3A_605 = vector.shape_cast %get3A_604 : vector<1x16xi32> to vector<16xi32>
        %shift_left3A_606 = arith.constant 16 : i32
        %shift_left3A_607 = vector.broadcast %shift_left3A_606 : i32 to vector<16xi32>
        %shift_left3A_608 = arith.shli %get3A_605, %shift_left3A_607 : vector<16xi32>
        %bitcast_convert_type3A_609 = tpu.bitcast %shift_left3A_608 : vector<16xi32> -> vector<16xf32>
        %and3A_610 = arith.constant -65536 : i32
        %and3A_611 = vector.broadcast %and3A_610 : i32 to vector<16xi32>
        %and3A_612 = arith.andi %get3A_605, %and3A_611 : vector<16xi32>
        %bitcast_convert_type3A_613 = tpu.bitcast %and3A_612 : vector<16xi32> -> vector<16xf32>
        %add3A_614 = arith.addf %add3A_554, %bitcast_convert_type3A_609 : vector<16xf32>
        %add3A_615 = arith.addf %add3A_555, %bitcast_convert_type3A_613 : vector<16xf32>
        %get3A_616 = arith.index_cast %add3A_573 : i32 to index
        %get3A_617 = arith.constant 48 : index
        %get3A_618 = tpu.vector_load %arg6[%get3A_616, %get3A_617] {strides = array<i32>} : memref<200x64xi32, #tpu.memory_space<vmem>>, vector<1x16xi32>,
        %get3A_619 = vector.shape_cast %get3A_618 : vector<1x16xi32> to vector<16xi32>
        %shift_left3A_620 = arith.constant 16 : i32
        %shift_left3A_621 = vector.broadcast %shift_left3A_620 : i32 to vector<16xi32>
        %shift_left3A_622 = arith.shli %get3A_619, %shift_left3A_621 : vector<16xi32>
        %bitcast_convert_type3A_623 = tpu.bitcast %shift_left3A_622 : vector<16xi32> -> vector<16xf32>
        %and3A_624 = arith.constant -65536 : i32
        %and3A_625 = vector.broadcast %and3A_624 : i32 to vector<16xi32>
        %and3A_626 = arith.andi %get3A_619, %and3A_625 : vector<16xi32>
        %bitcast_convert_type3A_627 = tpu.bitcast %and3A_626 : vector<16xi32> -> vector<16xf32>
        %add3A_628 = arith.addf %add3A_568, %bitcast_convert_type3A_623 : vector<16xf32>
        %add3A_629 = arith.addf %add3A_569, %bitcast_convert_type3A_627 : vector<16xf32>
        %mul3A_630 = arith.constant 4 : i32
        %mul3A_631 = arith.muli %mul3A_630, %scan3A_445 : i32
        %add3A_632 = arith.constant 3 : i32
        %add3A_633 = arith.addi %mul3A_631, %add3A_632 : i32
        %get3A_634 = arith.index_cast %add3A_633 : i32 to index
        %get3A_635 = arith.constant 0 : index
        %get3A_636 = tpu.vector_load %arg6[%get3A_634, %get3A_635] {strides = array<i32>} : memref<200x64xi32, #tpu.memory_space<vmem>>, vector<1x16xi32>,
        %get3A_637 = vector.shape_cast %get3A_636 : vector<1x16xi32> to vector<16xi32>
        %shift_left3A_638 = arith.constant 16 : i32
        %shift_left3A_639 = vector.broadcast %shift_left3A_638 : i32 to vector<16xi32>
        %shift_left3A_640 = arith.shli %get3A_637, %shift_left3A_639 : vector<16xi32>
        %bitcast_convert_type3A_641 = tpu.bitcast %shift_left3A_640 : vector<16xi32> -> vector<16xf32>
        %and3A_642 = arith.constant -65536 : i32
        %and3A_643 = vector.broadcast %and3A_642 : i32 to vector<16xi32>
        %and3A_644 = arith.andi %get3A_637, %and3A_643 : vector<16xi32>
        %bitcast_convert_type3A_645 = tpu.bitcast %and3A_644 : vector<16xi32> -> vector<16xf32>
        %add3A_646 = arith.addf %add3A_586, %bitcast_convert_type3A_641 : vector<16xf32>
        %add3A_647 = arith.addf %add3A_587, %bitcast_convert_type3A_645 : vector<16xf32>
        %get3A_648 = arith.index_cast %add3A_633 : i32 to index
        %get3A_649 = arith.constant 16 : index
        %get3A_650 = tpu.vector_load %arg6[%get3A_648, %get3A_649] {strides = array<i32>} : memref<200x64xi32, #tpu.memory_space<vmem>>, vector<1x16xi32>,
        %get3A_651 = vector.shape_cast %get3A_650 : vector<1x16xi32> to vector<16xi32>
        %shift_left3A_652 = arith.constant 16 : i32
        %shift_left3A_653 = vector.broadcast %shift_left3A_652 : i32 to vector<16xi32>
        %shift_left3A_654 = arith.shli %get3A_651, %shift_left3A_653 : vector<16xi32>
        %bitcast_convert_type3A_655 = tpu.bitcast %shift_left3A_654 : vector<16xi32> -> vector<16xf32>
        %and3A_656 = arith.constant -65536 : i32
        %and3A_657 = vector.broadcast %and3A_656 : i32 to vector<16xi32>
        %and3A_658 = arith.andi %get3A_651, %and3A_657 : vector<16xi32>
        %bitcast_convert_type3A_659 = tpu.bitcast %and3A_658 : vector<16xi32> -> vector<16xf32>
        %add3A_660 = arith.addf %add3A_600, %bitcast_convert_type3A_655 : vector<16xf32>
        %add3A_661 = arith.addf %add3A_601, %bitcast_convert_type3A_659 : vector<16xf32>
        %get3A_662 = arith.index_cast %add3A_633 : i32 to index
        %get3A_663 = arith.constant 32 : index
        %get3A_664 = tpu.vector_load %arg6[%get3A_662, %get3A_663] {strides = array<i32>} : memref<200x64xi32, #tpu.memory_space<vmem>>, vector<1x16xi32>,
        %get3A_665 = vector.shape_cast %get3A_664 : vector<1x16xi32> to vector<16xi32>
        %shift_left3A_666 = arith.constant 16 : i32
        %shift_left3A_667 = vector.broadcast %shift_left3A_666 : i32 to vector<16xi32>
        %shift_left3A_668 = arith.shli %get3A_665, %shift_left3A_667 : vector<16xi32>
        %bitcast_convert_type3A_669 = tpu.bitcast %shift_left3A_668 : vector<16xi32> -> vector<16xf32>
        %and3A_670 = arith.constant -65536 : i32
        %and3A_671 = vector.broadcast %and3A_670 : i32 to vector<16xi32>
        %and3A_672 = arith.andi %get3A_665, %and3A_671 : vector<16xi32>
        %bitcast_convert_type3A_673 = tpu.bitcast %and3A_672 : vector<16xi32> -> vector<16xf32>
        %add3A_674 = arith.addf %add3A_614, %bitcast_convert_type3A_669 : vector<16xf32>
        %add3A_675 = arith.addf %add3A_615, %bitcast_convert_type3A_673 : vector<16xf32>
        %get3A_676 = arith.index_cast %add3A_633 : i32 to index
        %get3A_677 = arith.constant 48 : index
        %get3A_678 = tpu.vector_load %arg6[%get3A_676, %get3A_677] {strides = array<i32>} : memref<200x64xi32, #tpu.memory_space<vmem>>, vector<1x16xi32>,
        %get3A_679 = vector.shape_cast %get3A_678 : vector<1x16xi32> to vector<16xi32>
        %shift_left3A_680 = arith.constant 16 : i32
        %shift_left3A_681 = vector.broadcast %shift_left3A_680 : i32 to vector<16xi32>
        %shift_left3A_682 = arith.shli %get3A_679, %shift_left3A_681 : vector<16xi32>
        %bitcast_convert_type3A_683 = tpu.bitcast %shift_left3A_682 : vector<16xi32> -> vector<16xf32>
        %and3A_684 = arith.constant -65536 : i32
        %and3A_685 = vector.broadcast %and3A_684 : i32 to vector<16xi32>
        %and3A_686 = arith.andi %get3A_679, %and3A_685 : vector<16xi32>
        %bitcast_convert_type3A_687 = tpu.bitcast %and3A_686 : vector<16xi32> -> vector<16xf32>
        %add3A_688 = arith.addf %add3A_628, %bitcast_convert_type3A_683 : vector<16xf32>
        %add3A_689 = arith.addf %add3A_629, %bitcast_convert_type3A_687 : vector<16xf32>
        scf.yield %add3A_646, %add3A_660, %add3A_674, %add3A_688, %add3A_647, %add3A_661, %add3A_675, %add3A_689 : vector<16xf32>, vector<16xf32>, vector<16xf32>, vector<16xf32>, vector<16xf32>, vector<16xf32>, vector<16xf32>, vector<16xf32>
      }
      %scan3A_120 = arith.constant 50 : i32
      %swap3A = arith.index_cast %add3A_99 : i32 to index
      %swap3A_121 = arith.constant 0 : index
      %swap3A_122 = tpu.vector_load %arg10[%swap3A, %swap3A_121] {strides = array<i32>} : memref<128x128xf32, #tpu.memory_space<vmem>>, vector<1x16xf32>,
      %swap3A_123 = vector.shape_cast %swap3A_122 : vector<1x16xf32> to vector<16xf32>
      %swap3A_124 = vector.shape_cast %scan3A_119#0 : vector<16xf32> to vector<1x16xf32>
      tpu.vector_store %arg10[%swap3A, %swap3A_121], %swap3A_124 {strides = array<i32>} : memref<128x128xf32, #tpu.memory_space<vmem>>, vector<1x16xf32>,
      %swap3A_125 = arith.index_cast %add3A_99 : i32 to index
      %swap3A_126 = arith.constant 16 : index
      %swap3A_127 = tpu.vector_load %arg10[%swap3A_125, %swap3A_126] {strides = array<i32>} : memref<128x128xf32, #tpu.memory_space<vmem>>, vector<1x16xf32>,
      %swap3A_128 = vector.shape_cast %swap3A_127 : vector<1x16xf32> to vector<16xf32>
      %swap3A_129 = vector.shape_cast %scan3A_119#1 : vector<16xf32> to vector<1x16xf32>
      tpu.vector_store %arg10[%swap3A_125, %swap3A_126], %swap3A_129 {strides = array<i32>} : memref<128x128xf32, #tpu.memory_space<vmem>>, vector<1x16xf32>,
      %swap3A_130 = arith.index_cast %add3A_99 : i32 to index
      %swap3A_131 = arith.constant 32 : index
      %swap3A_132 = tpu.vector_load %arg10[%swap3A_130, %swap3A_131] {strides = array<i32>} : memref<128x128xf32, #tpu.memory_space<vmem>>, vector<1x16xf32>,
      %swap3A_133 = vector.shape_cast %swap3A_132 : vector<1x16xf32> to vector<16xf32>
      %swap3A_134 = vector.shape_cast %scan3A_119#2 : vector<16xf32> to vector<1x16xf32>
      tpu.vector_store %arg10[%swap3A_130, %swap3A_131], %swap3A_134 {strides = array<i32>} : memref<128x128xf32, #tpu.memory_space<vmem>>, vector<1x16xf32>,
      %swap3A_135 = arith.index_cast %add3A_99 : i32 to index
      %swap3A_136 = arith.constant 48 : index
      %swap3A_137 = tpu.vector_load %arg10[%swap3A_135, %swap3A_136] {strides = array<i32>} : memref<128x128xf32, #tpu.memory_space<vmem>>, vector<1x16xf32>,
      %swap3A_138 = vector.shape_cast %swap3A_137 : vector<1x16xf32> to vector<16xf32>
      %swap3A_139 = vector.shape_cast %scan3A_119#3 : vector<16xf32> to vector<1x16xf32>
      tpu.vector_store %arg10[%swap3A_135, %swap3A_136], %swap3A_139 {strides = array<i32>} : memref<128x128xf32, #tpu.memory_space<vmem>>, vector<1x16xf32>,
      %swap3A_140 = arith.index_cast %add3A_99 : i32 to index
      %swap3A_141 = arith.constant 64 : index
      %swap3A_142 = tpu.vector_load %arg10[%swap3A_140, %swap3A_141] {strides = array<i32>} : memref<128x128xf32, #tpu.memory_space<vmem>>, vector<1x16xf32>,
      %swap3A_143 = vector.shape_cast %swap3A_142 : vector<1x16xf32> to vector<16xf32>
      %swap3A_144 = vector.shape_cast %scan3A_119#4 : vector<16xf32> to vector<1x16xf32>
      tpu.vector_store %arg10[%swap3A_140, %swap3A_141], %swap3A_144 {strides = array<i32>} : memref<128x128xf32, #tpu.memory_space<vmem>>, vector<1x16xf32>,
      %swap3A_145 = arith.index_cast %add3A_99 : i32 to index
      %swap3A_146 = arith.constant 80 : index
      %swap3A_147 = tpu.vector_load %arg10[%swap3A_145, %swap3A_146] {strides = array<i32>} : memref<128x128xf32, #tpu.memory_space<vmem>>, vector<1x16xf32>,
      %swap3A_148 = vector.shape_cast %swap3A_147 : vector<1x16xf32> to vector<16xf32>
      %swap3A_149 = vector.shape_cast %scan3A_119#5 : vector<16xf32> to vector<1x16xf32>
      tpu.vector_store %arg10[%swap3A_145, %swap3A_146], %swap3A_149 {strides = array<i32>} : memref<128x128xf32, #tpu.memory_space<vmem>>, vector<1x16xf32>,
      %swap3A_150 = arith.index_cast %add3A_99 : i32 to index
      %swap3A_151 = arith.constant 96 : index
      %swap3A_152 = tpu.vector_load %arg10[%swap3A_150, %swap3A_151] {strides = array<i32>} : memref<128x128xf32, #tpu.memory_space<vmem>>, vector<1x16xf32>,
      %swap3A_153 = vector.shape_cast %swap3A_152 : vector<1x16xf32> to vector<16xf32>
      %swap3A_154 = vector.shape_cast %scan3A_119#6 : vector<16xf32> to vector<1x16xf32>
      tpu.vector_store %arg10[%swap3A_150, %swap3A_151], %swap3A_154 {strides = array<i32>} : memref<128x128xf32, #tpu.memory_space<vmem>>, vector<1x16xf32>,
      %swap3A_155 = arith.index_cast %add3A_99 : i32 to index
      %swap3A_156 = arith.constant 112 : index
      %swap3A_157 = tpu.vector_load %arg10[%swap3A_155, %swap3A_156] {strides = array<i32>} : memref<128x128xf32, #tpu.memory_space<vmem>>, vector<1x16xf32>,
      %swap3A_158 = vector.shape_cast %swap3A_157 : vector<1x16xf32> to vector<16xf32>
      %swap3A_159 = vector.shape_cast %scan3A_119#7 : vector<16xf32> to vector<1x16xf32>
      tpu.vector_store %arg10[%swap3A_155, %swap3A_156], %swap3A_159 {strides = array<i32>} : memref<128x128xf32, #tpu.memory_space<vmem>>, vector<1x16xf32>,
      %add3A_160 = arith.constant 1 : i32
      %add3A_161 = arith.addi %mul3A_71, %add3A_160 : i32
      %add3A_162 = arith.constant 4 : i32
      %add3A_163 = arith.addi %add3A_161, %add3A_162 : i32
      %sub3A_164 = arith.constant 1 : i32
      %sub3A_165 = arith.subi %add3A_163, %sub3A_164 : i32
      %lt3A_166 = arith.constant 128 : i32
      %lt3A_167 = arith.cmpi slt, %sub3A_165, %lt3A_166 : i32
      %convert_element_type3A_168 = arith.extui %lt3A_167 : i1 to i32
      %cond3A_169 = arith.constant 0 : i32
      %cond3A_170 = arith.cmpi ne, %convert_element_type3A_168, %cond3A_169 : i32
      scf.if %cond3A_170 {
        %add3A_445 = arith.constant 1 : i32
        %add3A_446 = arith.addi %mul3A_71, %add3A_445 : i32
        %add3A_447 = arith.constant 4 : i32
        %add3A_448 = arith.addi %add3A_446, %add3A_447 : i32
        %sub3A_449 = arith.constant 1 : i32
        %sub3A_450 = arith.subi %add3A_448, %sub3A_449 : i32
        %mul3A_451 = arith.constant 2 : i32
        %mul3A_452 = arith.muli %mul3A_451, %sub3A_450 : i32
        %dma_start3A_453 = arith.constant 0 : i32
        %dma_start3A_454 = arith.constant 0 : i32
        %dma_start3A_455 = tpu.memref_slice %arg6[%dma_start3A_453, %dma_start3A_454] : memref<200x64xi32, #tpu.memory_space<vmem>> -> memref<96x64xi32, #tpu.memory_space<vmem>>
        %dma_start3A_456 = arith.constant 0 : i32
        %dma_start3A_457 = tpu.memref_slice %arg5[%mul3A_452, %dma_start3A_456] : memref<256x128xi32, #tpu.memory_space<vmem>> -> memref<1x96xi32, #tpu.memory_space<vmem>>
        %dma_start3A_458 = tpu.memref_squeeze %dma_start3A_457 : memref<1x96xi32, #tpu.memory_space<vmem>> -> memref<96xi32, #tpu.memory_space<vmem>>
        %dma_start3A_459 = arith.constant 0 : i32
        %dma_start3A_460 = arith.constant 0 : i32
        %dma_start3A_461 = tpu.memref_slice %arg2[%dma_start3A_459, %dma_start3A_460] : memref<100000x64xi32, #tpu.memory_space<hbm>> -> memref<100000x64xi32, #tpu.memory_space<hbm>>
        tpu.enqueue_indirect_dma source(%dma_start3A_461 : memref<100000x64xi32, #tpu.memory_space<hbm>>) target(%dma_start3A_455 : memref<96x64xi32, #tpu.memory_space<vmem>>) offsets(%dma_start3A_458 : memref<96xi32, #tpu.memory_space<vmem>>) semaphore(%arg11 : memref<!tpu.dma_semaphore, #tpu.memory_space<semaphore_mem>>)
        %mul3A_462 = arith.constant 2 : i32
        %mul3A_463 = arith.muli %mul3A_462, %sub3A_450 : i32
        %add3A_464 = arith.constant 1 : i32
        %add3A_465 = arith.addi %mul3A_463, %add3A_464 : i32
        %dma_start3A_466 = arith.constant 96 : i32
        %dma_start3A_467 = arith.constant 0 : i32
        %dma_start3A_468 = tpu.memref_slice %arg6[%dma_start3A_466, %dma_start3A_467] : memref<200x64xi32, #tpu.memory_space<vmem>> -> memref<104x64xi32, #tpu.memory_space<vmem>>
        %dma_start3A_469 = arith.constant 0 : i32
        %dma_start3A_470 = tpu.memref_slice %arg5[%add3A_465, %dma_start3A_469] : memref<256x128xi32, #tpu.memory_space<vmem>> -> memref<1x104xi32, #tpu.memory_space<vmem>>
        %dma_start3A_471 = tpu.memref_squeeze %dma_start3A_470 : memref<1x104xi32, #tpu.memory_space<vmem>> -> memref<104xi32, #tpu.memory_space<vmem>>
        %dma_start3A_472 = arith.constant 0 : i32
        %dma_start3A_473 = arith.constant 0 : i32
        %dma_start3A_474 = tpu.memref_slice %arg2[%dma_start3A_472, %dma_start3A_473] : memref<100000x64xi32, #tpu.memory_space<hbm>> -> memref<100000x64xi32, #tpu.memory_space<hbm>>
        tpu.enqueue_indirect_dma source(%dma_start3A_474 : memref<100000x64xi32, #tpu.memory_space<hbm>>) target(%dma_start3A_468 : memref<104x64xi32, #tpu.memory_space<vmem>>) offsets(%dma_start3A_471 : memref<104xi32, #tpu.memory_space<vmem>>) semaphore(%arg11 : memref<!tpu.dma_semaphore, #tpu.memory_space<semaphore_mem>>)
      } else {
      }
      %dma_wait3A_171 = arith.constant 0 : i32
      %dma_wait3A_172 = arith.constant 0 : i32
      %dma_wait3A_173 = arith.constant 0 : i32
      %dma_wait3A_174 = tpu.memref_slice %arg7[%dma_wait3A_172, %dma_wait3A_173] : memref<200x64xi32, #tpu.memory_space<vmem>> -> memref<96x64xi32, #tpu.memory_space<vmem>>
      %dma_wait3A_175 = arith.constant 0 : i32
      %dma_wait3A_176 = tpu.memref_slice %arg5[%dma_wait3A_171, %dma_wait3A_175] : memref<256x128xi32, #tpu.memory_space<vmem>> -> memref<1x96xi32, #tpu.memory_space<vmem>>
      %dma_wait3A_177 = tpu.memref_squeeze %dma_wait3A_176 : memref<1x96xi32, #tpu.memory_space<vmem>> -> memref<96xi32, #tpu.memory_space<vmem>>
      %dma_wait3A_178 = arith.constant 0 : i32
      %dma_wait3A_179 = arith.constant 0 : i32
      %dma_wait3A_180 = tpu.memref_slice %arg2[%dma_wait3A_178, %dma_wait3A_179] : memref<100000x64xi32, #tpu.memory_space<hbm>> -> memref<100000x64xi32, #tpu.memory_space<hbm>>
      tpu.wait_indirect_dma semaphore(%arg12 : memref<!tpu.dma_semaphore, #tpu.memory_space<semaphore_mem>>) src(%dma_wait3A_180 : memref<100000x64xi32, #tpu.memory_space<hbm>>) dst(%dma_wait3A_174 : memref<96x64xi32, #tpu.memory_space<vmem>>)
      %dma_wait3A_181 = arith.constant 0 : i32
      %dma_wait3A_182 = arith.constant 96 : i32
      %dma_wait3A_183 = arith.constant 0 : i32
      %dma_wait3A_184 = tpu.memref_slice %arg7[%dma_wait3A_182, %dma_wait3A_183] : memref<200x64xi32, #tpu.memory_space<vmem>> -> memref<104x64xi32, #tpu.memory_space<vmem>>
      %dma_wait3A_185 = arith.constant 0 : i32
      %dma_wait3A_186 = tpu.memref_slice %arg5[%dma_wait3A_181, %dma_wait3A_185] : memref<256x128xi32, #tpu.memory_space<vmem>> -> memref<1x104xi32, #tpu.memory_space<vmem>>
      %dma_wait3A_187 = tpu.memref_squeeze %dma_wait3A_186 : memref<1x104xi32, #tpu.memory_space<vmem>> -> memref<104xi32, #tpu.memory_space<vmem>>
      %dma_wait3A_188 = arith.constant 0 : i32
      %dma_wait3A_189 = arith.constant 0 : i32
      %dma_wait3A_190 = tpu.memref_slice %arg2[%dma_wait3A_188, %dma_wait3A_189] : memref<100000x64xi32, #tpu.memory_space<hbm>> -> memref<100000x64xi32, #tpu.memory_space<hbm>>
      tpu.wait_indirect_dma semaphore(%arg12 : memref<!tpu.dma_semaphore, #tpu.memory_space<semaphore_mem>>) src(%dma_wait3A_190 : memref<100000x64xi32, #tpu.memory_space<hbm>>) dst(%dma_wait3A_184 : memref<104x64xi32, #tpu.memory_space<vmem>>)
      %add3A_191 = arith.constant 1 : i32
      %add3A_192 = arith.addi %mul3A_71, %add3A_191 : i32
      %broadcast_in_dim3A_193 = arith.constant 0.000000e+00 : f32
      %broadcast_in_dim3A_194 = vector.broadcast %broadcast_in_dim3A_193 : f32 to vector<16xf32>
      %broadcast_in_dim3A_195 = arith.constant 0.000000e+00 : f32
      %broadcast_in_dim3A_196 = vector.broadcast %broadcast_in_dim3A_195 : f32 to vector<16xf32>
      %broadcast_in_dim3A_197 = arith.constant 0.000000e+00 : f32
      %broadcast_in_dim3A_198 = vector.broadcast %broadcast_in_dim3A_197 : f32 to vector<16xf32>
      %broadcast_in_dim3A_199 = arith.constant 0.000000e+00 : f32
      %broadcast_in_dim3A_200 = vector.broadcast %broadcast_in_dim3A_199 : f32 to vector<16xf32>
      %broadcast_in_dim3A_201 = arith.constant 0.000000e+00 : f32
      %broadcast_in_dim3A_202 = vector.broadcast %broadcast_in_dim3A_201 : f32 to vector<16xf32>
      %broadcast_in_dim3A_203 = arith.constant 0.000000e+00 : f32
      %broadcast_in_dim3A_204 = vector.broadcast %broadcast_in_dim3A_203 : f32 to vector<16xf32>
      %broadcast_in_dim3A_205 = arith.constant 0.000000e+00 : f32
      %broadcast_in_dim3A_206 = vector.broadcast %broadcast_in_dim3A_205 : f32 to vector<16xf32>
      %broadcast_in_dim3A_207 = arith.constant 0.000000e+00 : f32
      %broadcast_in_dim3A_208 = vector.broadcast %broadcast_in_dim3A_207 : f32 to vector<16xf32>
      %scan3A_209 = arith.constant 0 : i32
      %scan3A_210 = arith.constant 50 : i32
      %scan3A_211 = arith.addi %scan3A_209, %scan3A_210 : i32
      %scan3A_212 = arith.constant 1 : i32
      %scan3A_213:8 = scf.for %scan3A_445 = %scan3A_209 to %scan3A_211 step %scan3A_212 iter_args(%scan3A_446 = %broadcast_in_dim3A_194, %scan3A_447 = %broadcast_in_dim3A_196, %scan3A_448 = %broadcast_in_dim3A_198, %scan3A_449 = %broadcast_in_dim3A_200, %scan3A_450 = %broadcast_in_dim3A_202, %scan3A_451 = %broadcast_in_dim3A_204, %scan3A_452 = %broadcast_in_dim3A_206, %scan3A_453 = %broadcast_in_dim3A_208) -> (vector<16xf32>, vector<16xf32>, vector<16xf32>, vector<16xf32>, vector<16xf32>, vector<16xf32>, vector<16xf32>, vector<16xf32>)  : i32 {
        %mul3A_454 = arith.constant 4 : i32
        %mul3A_455 = arith.muli %mul3A_454, %scan3A_445 : i32
        %add3A_456 = arith.constant 0 : i32
        %add3A_457 = arith.addi %mul3A_455, %add3A_456 : i32
        %get3A = arith.index_cast %add3A_457 : i32 to index
        %get3A_458 = arith.constant 0 : index
        %get3A_459 = tpu.vector_load %arg7[%get3A, %get3A_458] {strides = array<i32>} : memref<200x64xi32, #tpu.memory_space<vmem>>, vector<1x16xi32>,
        %get3A_460 = vector.shape_cast %get3A_459 : vector<1x16xi32> to vector<16xi32>
        %shift_left3A = arith.constant 16 : i32
        %shift_left3A_461 = vector.broadcast %shift_left3A : i32 to vector<16xi32>
        %shift_left3A_462 = arith.shli %get3A_460, %shift_left3A_461 : vector<16xi32>
        %bitcast_convert_type3A = tpu.bitcast %shift_left3A_462 : vector<16xi32> -> vector<16xf32>
        %and3A = arith.constant -65536 : i32
        %and3A_463 = vector.broadcast %and3A : i32 to vector<16xi32>
        %and3A_464 = arith.andi %get3A_460, %and3A_463 : vector<16xi32>
        %bitcast_convert_type3A_465 = tpu.bitcast %and3A_464 : vector<16xi32> -> vector<16xf32>
        %add3A_466 = arith.addf %scan3A_446, %bitcast_convert_type3A : vector<16xf32>
        %add3A_467 = arith.addf %scan3A_450, %bitcast_convert_type3A_465 : vector<16xf32>
        %get3A_468 = arith.index_cast %add3A_457 : i32 to index
        %get3A_469 = arith.constant 16 : index
        %get3A_470 = tpu.vector_load %arg7[%get3A_468, %get3A_469] {strides = array<i32>} : memref<200x64xi32, #tpu.memory_space<vmem>>, vector<1x16xi32>,
        %get3A_471 = vector.shape_cast %get3A_470 : vector<1x16xi32> to vector<16xi32>
        %shift_left3A_472 = arith.constant 16 : i32
        %shift_left3A_473 = vector.broadcast %shift_left3A_472 : i32 to vector<16xi32>
        %shift_left3A_474 = arith.shli %get3A_471, %shift_left3A_473 : vector<16xi32>
        %bitcast_convert_type3A_475 = tpu.bitcast %shift_left3A_474 : vector<16xi32> -> vector<16xf32>
        %and3A_476 = arith.constant -65536 : i32
        %and3A_477 = vector.broadcast %and3A_476 : i32 to vector<16xi32>
        %and3A_478 = arith.andi %get3A_471, %and3A_477 : vector<16xi32>
        %bitcast_convert_type3A_479 = tpu.bitcast %and3A_478 : vector<16xi32> -> vector<16xf32>
        %add3A_480 = arith.addf %scan3A_447, %bitcast_convert_type3A_475 : vector<16xf32>
        %add3A_481 = arith.addf %scan3A_451, %bitcast_convert_type3A_479 : vector<16xf32>
        %get3A_482 = arith.index_cast %add3A_457 : i32 to index
        %get3A_483 = arith.constant 32 : index
        %get3A_484 = tpu.vector_load %arg7[%get3A_482, %get3A_483] {strides = array<i32>} : memref<200x64xi32, #tpu.memory_space<vmem>>, vector<1x16xi32>,
        %get3A_485 = vector.shape_cast %get3A_484 : vector<1x16xi32> to vector<16xi32>
        %shift_left3A_486 = arith.constant 16 : i32
        %shift_left3A_487 = vector.broadcast %shift_left3A_486 : i32 to vector<16xi32>
        %shift_left3A_488 = arith.shli %get3A_485, %shift_left3A_487 : vector<16xi32>
        %bitcast_convert_type3A_489 = tpu.bitcast %shift_left3A_488 : vector<16xi32> -> vector<16xf32>
        %and3A_490 = arith.constant -65536 : i32
        %and3A_491 = vector.broadcast %and3A_490 : i32 to vector<16xi32>
        %and3A_492 = arith.andi %get3A_485, %and3A_491 : vector<16xi32>
        %bitcast_convert_type3A_493 = tpu.bitcast %and3A_492 : vector<16xi32> -> vector<16xf32>
        %add3A_494 = arith.addf %scan3A_448, %bitcast_convert_type3A_489 : vector<16xf32>
        %add3A_495 = arith.addf %scan3A_452, %bitcast_convert_type3A_493 : vector<16xf32>
        %get3A_496 = arith.index_cast %add3A_457 : i32 to index
        %get3A_497 = arith.constant 48 : index
        %get3A_498 = tpu.vector_load %arg7[%get3A_496, %get3A_497] {strides = array<i32>} : memref<200x64xi32, #tpu.memory_space<vmem>>, vector<1x16xi32>,
        %get3A_499 = vector.shape_cast %get3A_498 : vector<1x16xi32> to vector<16xi32>
        %shift_left3A_500 = arith.constant 16 : i32
        %shift_left3A_501 = vector.broadcast %shift_left3A_500 : i32 to vector<16xi32>
        %shift_left3A_502 = arith.shli %get3A_499, %shift_left3A_501 : vector<16xi32>
        %bitcast_convert_type3A_503 = tpu.bitcast %shift_left3A_502 : vector<16xi32> -> vector<16xf32>
        %and3A_504 = arith.constant -65536 : i32
        %and3A_505 = vector.broadcast %and3A_504 : i32 to vector<16xi32>
        %and3A_506 = arith.andi %get3A_499, %and3A_505 : vector<16xi32>
        %bitcast_convert_type3A_507 = tpu.bitcast %and3A_506 : vector<16xi32> -> vector<16xf32>
        %add3A_508 = arith.addf %scan3A_449, %bitcast_convert_type3A_503 : vector<16xf32>
        %add3A_509 = arith.addf %scan3A_453, %bitcast_convert_type3A_507 : vector<16xf32>
        %mul3A_510 = arith.constant 4 : i32
        %mul3A_511 = arith.muli %mul3A_510, %scan3A_445 : i32
        %add3A_512 = arith.constant 1 : i32
        %add3A_513 = arith.addi %mul3A_511, %add3A_512 : i32
        %get3A_514 = arith.index_cast %add3A_513 : i32 to index
        %get3A_515 = arith.constant 0 : index
        %get3A_516 = tpu.vector_load %arg7[%get3A_514, %get3A_515] {strides = array<i32>} : memref<200x64xi32, #tpu.memory_space<vmem>>, vector<1x16xi32>,
        %get3A_517 = vector.shape_cast %get3A_516 : vector<1x16xi32> to vector<16xi32>
        %shift_left3A_518 = arith.constant 16 : i32
        %shift_left3A_519 = vector.broadcast %shift_left3A_518 : i32 to vector<16xi32>
        %shift_left3A_520 = arith.shli %get3A_517, %shift_left3A_519 : vector<16xi32>
        %bitcast_convert_type3A_521 = tpu.bitcast %shift_left3A_520 : vector<16xi32> -> vector<16xf32>
        %and3A_522 = arith.constant -65536 : i32
        %and3A_523 = vector.broadcast %and3A_522 : i32 to vector<16xi32>
        %and3A_524 = arith.andi %get3A_517, %and3A_523 : vector<16xi32>
        %bitcast_convert_type3A_525 = tpu.bitcast %and3A_524 : vector<16xi32> -> vector<16xf32>
        %add3A_526 = arith.addf %add3A_466, %bitcast_convert_type3A_521 : vector<16xf32>
        %add3A_527 = arith.addf %add3A_467, %bitcast_convert_type3A_525 : vector<16xf32>
        %get3A_528 = arith.index_cast %add3A_513 : i32 to index
        %get3A_529 = arith.constant 16 : index
        %get3A_530 = tpu.vector_load %arg7[%get3A_528, %get3A_529] {strides = array<i32>} : memref<200x64xi32, #tpu.memory_space<vmem>>, vector<1x16xi32>,
        %get3A_531 = vector.shape_cast %get3A_530 : vector<1x16xi32> to vector<16xi32>
        %shift_left3A_532 = arith.constant 16 : i32
        %shift_left3A_533 = vector.broadcast %shift_left3A_532 : i32 to vector<16xi32>
        %shift_left3A_534 = arith.shli %get3A_531, %shift_left3A_533 : vector<16xi32>
        %bitcast_convert_type3A_535 = tpu.bitcast %shift_left3A_534 : vector<16xi32> -> vector<16xf32>
        %and3A_536 = arith.constant -65536 : i32
        %and3A_537 = vector.broadcast %and3A_536 : i32 to vector<16xi32>
        %and3A_538 = arith.andi %get3A_531, %and3A_537 : vector<16xi32>
        %bitcast_convert_type3A_539 = tpu.bitcast %and3A_538 : vector<16xi32> -> vector<16xf32>
        %add3A_540 = arith.addf %add3A_480, %bitcast_convert_type3A_535 : vector<16xf32>
        %add3A_541 = arith.addf %add3A_481, %bitcast_convert_type3A_539 : vector<16xf32>
        %get3A_542 = arith.index_cast %add3A_513 : i32 to index
        %get3A_543 = arith.constant 32 : index
        %get3A_544 = tpu.vector_load %arg7[%get3A_542, %get3A_543] {strides = array<i32>} : memref<200x64xi32, #tpu.memory_space<vmem>>, vector<1x16xi32>,
        %get3A_545 = vector.shape_cast %get3A_544 : vector<1x16xi32> to vector<16xi32>
        %shift_left3A_546 = arith.constant 16 : i32
        %shift_left3A_547 = vector.broadcast %shift_left3A_546 : i32 to vector<16xi32>
        %shift_left3A_548 = arith.shli %get3A_545, %shift_left3A_547 : vector<16xi32>
        %bitcast_convert_type3A_549 = tpu.bitcast %shift_left3A_548 : vector<16xi32> -> vector<16xf32>
        %and3A_550 = arith.constant -65536 : i32
        %and3A_551 = vector.broadcast %and3A_550 : i32 to vector<16xi32>
        %and3A_552 = arith.andi %get3A_545, %and3A_551 : vector<16xi32>
        %bitcast_convert_type3A_553 = tpu.bitcast %and3A_552 : vector<16xi32> -> vector<16xf32>
        %add3A_554 = arith.addf %add3A_494, %bitcast_convert_type3A_549 : vector<16xf32>
        %add3A_555 = arith.addf %add3A_495, %bitcast_convert_type3A_553 : vector<16xf32>
        %get3A_556 = arith.index_cast %add3A_513 : i32 to index
        %get3A_557 = arith.constant 48 : index
        %get3A_558 = tpu.vector_load %arg7[%get3A_556, %get3A_557] {strides = array<i32>} : memref<200x64xi32, #tpu.memory_space<vmem>>, vector<1x16xi32>,
        %get3A_559 = vector.shape_cast %get3A_558 : vector<1x16xi32> to vector<16xi32>
        %shift_left3A_560 = arith.constant 16 : i32
        %shift_left3A_561 = vector.broadcast %shift_left3A_560 : i32 to vector<16xi32>
        %shift_left3A_562 = arith.shli %get3A_559, %shift_left3A_561 : vector<16xi32>
        %bitcast_convert_type3A_563 = tpu.bitcast %shift_left3A_562 : vector<16xi32> -> vector<16xf32>
        %and3A_564 = arith.constant -65536 : i32
        %and3A_565 = vector.broadcast %and3A_564 : i32 to vector<16xi32>
        %and3A_566 = arith.andi %get3A_559, %and3A_565 : vector<16xi32>
        %bitcast_convert_type3A_567 = tpu.bitcast %and3A_566 : vector<16xi32> -> vector<16xf32>
        %add3A_568 = arith.addf %add3A_508, %bitcast_convert_type3A_563 : vector<16xf32>
        %add3A_569 = arith.addf %add3A_509, %bitcast_convert_type3A_567 : vector<16xf32>
        %mul3A_570 = arith.constant 4 : i32
        %mul3A_571 = arith.muli %mul3A_570, %scan3A_445 : i32
        %add3A_572 = arith.constant 2 : i32
        %add3A_573 = arith.addi %mul3A_571, %add3A_572 : i32
        %get3A_574 = arith.index_cast %add3A_573 : i32 to index
        %get3A_575 = arith.constant 0 : index
        %get3A_576 = tpu.vector_load %arg7[%get3A_574, %get3A_575] {strides = array<i32>} : memref<200x64xi32, #tpu.memory_space<vmem>>, vector<1x16xi32>,
        %get3A_577 = vector.shape_cast %get3A_576 : vector<1x16xi32> to vector<16xi32>
        %shift_left3A_578 = arith.constant 16 : i32
        %shift_left3A_579 = vector.broadcast %shift_left3A_578 : i32 to vector<16xi32>
        %shift_left3A_580 = arith.shli %get3A_577, %shift_left3A_579 : vector<16xi32>
        %bitcast_convert_type3A_581 = tpu.bitcast %shift_left3A_580 : vector<16xi32> -> vector<16xf32>
        %and3A_582 = arith.constant -65536 : i32
        %and3A_583 = vector.broadcast %and3A_582 : i32 to vector<16xi32>
        %and3A_584 = arith.andi %get3A_577, %and3A_583 : vector<16xi32>
        %bitcast_convert_type3A_585 = tpu.bitcast %and3A_584 : vector<16xi32> -> vector<16xf32>
        %add3A_586 = arith.addf %add3A_526, %bitcast_convert_type3A_581 : vector<16xf32>
        %add3A_587 = arith.addf %add3A_527, %bitcast_convert_type3A_585 : vector<16xf32>
        %get3A_588 = arith.index_cast %add3A_573 : i32 to index
        %get3A_589 = arith.constant 16 : index
        %get3A_590 = tpu.vector_load %arg7[%get3A_588, %get3A_589] {strides = array<i32>} : memref<200x64xi32, #tpu.memory_space<vmem>>, vector<1x16xi32>,
        %get3A_591 = vector.shape_cast %get3A_590 : vector<1x16xi32> to vector<16xi32>
        %shift_left3A_592 = arith.constant 16 : i32
        %shift_left3A_593 = vector.broadcast %shift_left3A_592 : i32 to vector<16xi32>
        %shift_left3A_594 = arith.shli %get3A_591, %shift_left3A_593 : vector<16xi32>
        %bitcast_convert_type3A_595 = tpu.bitcast %shift_left3A_594 : vector<16xi32> -> vector<16xf32>
        %and3A_596 = arith.constant -65536 : i32
        %and3A_597 = vector.broadcast %and3A_596 : i32 to vector<16xi32>
        %and3A_598 = arith.andi %get3A_591, %and3A_597 : vector<16xi32>
        %bitcast_convert_type3A_599 = tpu.bitcast %and3A_598 : vector<16xi32> -> vector<16xf32>
        %add3A_600 = arith.addf %add3A_540, %bitcast_convert_type3A_595 : vector<16xf32>
        %add3A_601 = arith.addf %add3A_541, %bitcast_convert_type3A_599 : vector<16xf32>
        %get3A_602 = arith.index_cast %add3A_573 : i32 to index
        %get3A_603 = arith.constant 32 : index
        %get3A_604 = tpu.vector_load %arg7[%get3A_602, %get3A_603] {strides = array<i32>} : memref<200x64xi32, #tpu.memory_space<vmem>>, vector<1x16xi32>,
        %get3A_605 = vector.shape_cast %get3A_604 : vector<1x16xi32> to vector<16xi32>
        %shift_left3A_606 = arith.constant 16 : i32
        %shift_left3A_607 = vector.broadcast %shift_left3A_606 : i32 to vector<16xi32>
        %shift_left3A_608 = arith.shli %get3A_605, %shift_left3A_607 : vector<16xi32>
        %bitcast_convert_type3A_609 = tpu.bitcast %shift_left3A_608 : vector<16xi32> -> vector<16xf32>
        %and3A_610 = arith.constant -65536 : i32
        %and3A_611 = vector.broadcast %and3A_610 : i32 to vector<16xi32>
        %and3A_612 = arith.andi %get3A_605, %and3A_611 : vector<16xi32>
        %bitcast_convert_type3A_613 = tpu.bitcast %and3A_612 : vector<16xi32> -> vector<16xf32>
        %add3A_614 = arith.addf %add3A_554, %bitcast_convert_type3A_609 : vector<16xf32>
        %add3A_615 = arith.addf %add3A_555, %bitcast_convert_type3A_613 : vector<16xf32>
        %get3A_616 = arith.index_cast %add3A_573 : i32 to index
        %get3A_617 = arith.constant 48 : index
        %get3A_618 = tpu.vector_load %arg7[%get3A_616, %get3A_617] {strides = array<i32>} : memref<200x64xi32, #tpu.memory_space<vmem>>, vector<1x16xi32>,
        %get3A_619 = vector.shape_cast %get3A_618 : vector<1x16xi32> to vector<16xi32>
        %shift_left3A_620 = arith.constant 16 : i32
        %shift_left3A_621 = vector.broadcast %shift_left3A_620 : i32 to vector<16xi32>
        %shift_left3A_622 = arith.shli %get3A_619, %shift_left3A_621 : vector<16xi32>
        %bitcast_convert_type3A_623 = tpu.bitcast %shift_left3A_622 : vector<16xi32> -> vector<16xf32>
        %and3A_624 = arith.constant -65536 : i32
        %and3A_625 = vector.broadcast %and3A_624 : i32 to vector<16xi32>
        %and3A_626 = arith.andi %get3A_619, %and3A_625 : vector<16xi32>
        %bitcast_convert_type3A_627 = tpu.bitcast %and3A_626 : vector<16xi32> -> vector<16xf32>
        %add3A_628 = arith.addf %add3A_568, %bitcast_convert_type3A_623 : vector<16xf32>
        %add3A_629 = arith.addf %add3A_569, %bitcast_convert_type3A_627 : vector<16xf32>
        %mul3A_630 = arith.constant 4 : i32
        %mul3A_631 = arith.muli %mul3A_630, %scan3A_445 : i32
        %add3A_632 = arith.constant 3 : i32
        %add3A_633 = arith.addi %mul3A_631, %add3A_632 : i32
        %get3A_634 = arith.index_cast %add3A_633 : i32 to index
        %get3A_635 = arith.constant 0 : index
        %get3A_636 = tpu.vector_load %arg7[%get3A_634, %get3A_635] {strides = array<i32>} : memref<200x64xi32, #tpu.memory_space<vmem>>, vector<1x16xi32>,
        %get3A_637 = vector.shape_cast %get3A_636 : vector<1x16xi32> to vector<16xi32>
        %shift_left3A_638 = arith.constant 16 : i32
        %shift_left3A_639 = vector.broadcast %shift_left3A_638 : i32 to vector<16xi32>
        %shift_left3A_640 = arith.shli %get3A_637, %shift_left3A_639 : vector<16xi32>
        %bitcast_convert_type3A_641 = tpu.bitcast %shift_left3A_640 : vector<16xi32> -> vector<16xf32>
        %and3A_642 = arith.constant -65536 : i32
        %and3A_643 = vector.broadcast %and3A_642 : i32 to vector<16xi32>
        %and3A_644 = arith.andi %get3A_637, %and3A_643 : vector<16xi32>
        %bitcast_convert_type3A_645 = tpu.bitcast %and3A_644 : vector<16xi32> -> vector<16xf32>
        %add3A_646 = arith.addf %add3A_586, %bitcast_convert_type3A_641 : vector<16xf32>
        %add3A_647 = arith.addf %add3A_587, %bitcast_convert_type3A_645 : vector<16xf32>
        %get3A_648 = arith.index_cast %add3A_633 : i32 to index
        %get3A_649 = arith.constant 16 : index
        %get3A_650 = tpu.vector_load %arg7[%get3A_648, %get3A_649] {strides = array<i32>} : memref<200x64xi32, #tpu.memory_space<vmem>>, vector<1x16xi32>,
        %get3A_651 = vector.shape_cast %get3A_650 : vector<1x16xi32> to vector<16xi32>
        %shift_left3A_652 = arith.constant 16 : i32
        %shift_left3A_653 = vector.broadcast %shift_left3A_652 : i32 to vector<16xi32>
        %shift_left3A_654 = arith.shli %get3A_651, %shift_left3A_653 : vector<16xi32>
        %bitcast_convert_type3A_655 = tpu.bitcast %shift_left3A_654 : vector<16xi32> -> vector<16xf32>
        %and3A_656 = arith.constant -65536 : i32
        %and3A_657 = vector.broadcast %and3A_656 : i32 to vector<16xi32>
        %and3A_658 = arith.andi %get3A_651, %and3A_657 : vector<16xi32>
        %bitcast_convert_type3A_659 = tpu.bitcast %and3A_658 : vector<16xi32> -> vector<16xf32>
        %add3A_660 = arith.addf %add3A_600, %bitcast_convert_type3A_655 : vector<16xf32>
        %add3A_661 = arith.addf %add3A_601, %bitcast_convert_type3A_659 : vector<16xf32>
        %get3A_662 = arith.index_cast %add3A_633 : i32 to index
        %get3A_663 = arith.constant 32 : index
        %get3A_664 = tpu.vector_load %arg7[%get3A_662, %get3A_663] {strides = array<i32>} : memref<200x64xi32, #tpu.memory_space<vmem>>, vector<1x16xi32>,
        %get3A_665 = vector.shape_cast %get3A_664 : vector<1x16xi32> to vector<16xi32>
        %shift_left3A_666 = arith.constant 16 : i32
        %shift_left3A_667 = vector.broadcast %shift_left3A_666 : i32 to vector<16xi32>
        %shift_left3A_668 = arith.shli %get3A_665, %shift_left3A_667 : vector<16xi32>
        %bitcast_convert_type3A_669 = tpu.bitcast %shift_left3A_668 : vector<16xi32> -> vector<16xf32>
        %and3A_670 = arith.constant -65536 : i32
        %and3A_671 = vector.broadcast %and3A_670 : i32 to vector<16xi32>
        %and3A_672 = arith.andi %get3A_665, %and3A_671 : vector<16xi32>
        %bitcast_convert_type3A_673 = tpu.bitcast %and3A_672 : vector<16xi32> -> vector<16xf32>
        %add3A_674 = arith.addf %add3A_614, %bitcast_convert_type3A_669 : vector<16xf32>
        %add3A_675 = arith.addf %add3A_615, %bitcast_convert_type3A_673 : vector<16xf32>
        %get3A_676 = arith.index_cast %add3A_633 : i32 to index
        %get3A_677 = arith.constant 48 : index
        %get3A_678 = tpu.vector_load %arg7[%get3A_676, %get3A_677] {strides = array<i32>} : memref<200x64xi32, #tpu.memory_space<vmem>>, vector<1x16xi32>,
        %get3A_679 = vector.shape_cast %get3A_678 : vector<1x16xi32> to vector<16xi32>
        %shift_left3A_680 = arith.constant 16 : i32
        %shift_left3A_681 = vector.broadcast %shift_left3A_680 : i32 to vector<16xi32>
        %shift_left3A_682 = arith.shli %get3A_679, %shift_left3A_681 : vector<16xi32>
        %bitcast_convert_type3A_683 = tpu.bitcast %shift_left3A_682 : vector<16xi32> -> vector<16xf32>
        %and3A_684 = arith.constant -65536 : i32
        %and3A_685 = vector.broadcast %and3A_684 : i32 to vector<16xi32>
        %and3A_686 = arith.andi %get3A_679, %and3A_685 : vector<16xi32>
        %bitcast_convert_type3A_687 = tpu.bitcast %and3A_686 : vector<16xi32> -> vector<16xf32>
        %add3A_688 = arith.addf %add3A_628, %bitcast_convert_type3A_683 : vector<16xf32>
        %add3A_689 = arith.addf %add3A_629, %bitcast_convert_type3A_687 : vector<16xf32>
        scf.yield %add3A_646, %add3A_660, %add3A_674, %add3A_688, %add3A_647, %add3A_661, %add3A_675, %add3A_689 : vector<16xf32>, vector<16xf32>, vector<16xf32>, vector<16xf32>, vector<16xf32>, vector<16xf32>, vector<16xf32>, vector<16xf32>
      }
      %scan3A_214 = arith.constant 50 : i32
      %swap3A_215 = arith.index_cast %add3A_192 : i32 to index
      %swap3A_216 = arith.constant 0 : index
      %swap3A_217 = tpu.vector_load %arg10[%swap3A_215, %swap3A_216] {strides = array<i32>} : memref<128x128xf32, #tpu.memory_space<vmem>>, vector<1x16xf32>,
      %swap3A_218 = vector.shape_cast %swap3A_217 : vector<1x16xf32> to vector<16xf32>
      %swap3A_219 = vector.shape_cast %scan3A_213#0 : vector<16xf32> to vector<1x16xf32>
      tpu.vector_store %arg10[%swap3A_215, %swap3A_216], %swap3A_219 {strides = array<i32>} : memref<128x128xf32, #tpu.memory_space<vmem>>, vector<1x16xf32>,
      %swap3A_220 = arith.index_cast %add3A_192 : i32 to index
      %swap3A_221 = arith.constant 16 : index
      %swap3A_222 = tpu.vector_load %arg10[%swap3A_220, %swap3A_221] {strides = array<i32>} : memref<128x128xf32, #tpu.memory_space<vmem>>, vector<1x16xf32>,
      %swap3A_223 = vector.shape_cast %swap3A_222 : vector<1x16xf32> to vector<16xf32>
      %swap3A_224 = vector.shape_cast %scan3A_213#1 : vector<16xf32> to vector<1x16xf32>
      tpu.vector_store %arg10[%swap3A_220, %swap3A_221], %swap3A_224 {strides = array<i32>} : memref<128x128xf32, #tpu.memory_space<vmem>>, vector<1x16xf32>,
      %swap3A_225 = arith.index_cast %add3A_192 : i32 to index
      %swap3A_226 = arith.constant 32 : index
      %swap3A_227 = tpu.vector_load %arg10[%swap3A_225, %swap3A_226] {strides = array<i32>} : memref<128x128xf32, #tpu.memory_space<vmem>>, vector<1x16xf32>,
      %swap3A_228 = vector.shape_cast %swap3A_227 : vector<1x16xf32> to vector<16xf32>
      %swap3A_229 = vector.shape_cast %scan3A_213#2 : vector<16xf32> to vector<1x16xf32>
      tpu.vector_store %arg10[%swap3A_225, %swap3A_226], %swap3A_229 {strides = array<i32>} : memref<128x128xf32, #tpu.memory_space<vmem>>, vector<1x16xf32>,
      %swap3A_230 = arith.index_cast %add3A_192 : i32 to index
      %swap3A_231 = arith.constant 48 : index
      %swap3A_232 = tpu.vector_load %arg10[%swap3A_230, %swap3A_231] {strides = array<i32>} : memref<128x128xf32, #tpu.memory_space<vmem>>, vector<1x16xf32>,
      %swap3A_233 = vector.shape_cast %swap3A_232 : vector<1x16xf32> to vector<16xf32>
      %swap3A_234 = vector.shape_cast %scan3A_213#3 : vector<16xf32> to vector<1x16xf32>
      tpu.vector_store %arg10[%swap3A_230, %swap3A_231], %swap3A_234 {strides = array<i32>} : memref<128x128xf32, #tpu.memory_space<vmem>>, vector<1x16xf32>,
      %swap3A_235 = arith.index_cast %add3A_192 : i32 to index
      %swap3A_236 = arith.constant 64 : index
      %swap3A_237 = tpu.vector_load %arg10[%swap3A_235, %swap3A_236] {strides = array<i32>} : memref<128x128xf32, #tpu.memory_space<vmem>>, vector<1x16xf32>,
      %swap3A_238 = vector.shape_cast %swap3A_237 : vector<1x16xf32> to vector<16xf32>
      %swap3A_239 = vector.shape_cast %scan3A_213#4 : vector<16xf32> to vector<1x16xf32>
      tpu.vector_store %arg10[%swap3A_235, %swap3A_236], %swap3A_239 {strides = array<i32>} : memref<128x128xf32, #tpu.memory_space<vmem>>, vector<1x16xf32>,
      %swap3A_240 = arith.index_cast %add3A_192 : i32 to index
      %swap3A_241 = arith.constant 80 : index
      %swap3A_242 = tpu.vector_load %arg10[%swap3A_240, %swap3A_241] {strides = array<i32>} : memref<128x128xf32, #tpu.memory_space<vmem>>, vector<1x16xf32>,
      %swap3A_243 = vector.shape_cast %swap3A_242 : vector<1x16xf32> to vector<16xf32>
      %swap3A_244 = vector.shape_cast %scan3A_213#5 : vector<16xf32> to vector<1x16xf32>
      tpu.vector_store %arg10[%swap3A_240, %swap3A_241], %swap3A_244 {strides = array<i32>} : memref<128x128xf32, #tpu.memory_space<vmem>>, vector<1x16xf32>,
      %swap3A_245 = arith.index_cast %add3A_192 : i32 to index
      %swap3A_246 = arith.constant 96 : index
      %swap3A_247 = tpu.vector_load %arg10[%swap3A_245, %swap3A_246] {strides = array<i32>} : memref<128x128xf32, #tpu.memory_space<vmem>>, vector<1x16xf32>,
      %swap3A_248 = vector.shape_cast %swap3A_247 : vector<1x16xf32> to vector<16xf32>
      %swap3A_249 = vector.shape_cast %scan3A_213#6 : vector<16xf32> to vector<1x16xf32>
      tpu.vector_store %arg10[%swap3A_245, %swap3A_246], %swap3A_249 {strides = array<i32>} : memref<128x128xf32, #tpu.memory_space<vmem>>, vector<1x16xf32>,
      %swap3A_250 = arith.index_cast %add3A_192 : i32 to index
      %swap3A_251 = arith.constant 112 : index
      %swap3A_252 = tpu.vector_load %arg10[%swap3A_250, %swap3A_251] {strides = array<i32>} : memref<128x128xf32, #tpu.memory_space<vmem>>, vector<1x16xf32>,
      %swap3A_253 = vector.shape_cast %swap3A_252 : vector<1x16xf32> to vector<16xf32>
      %swap3A_254 = vector.shape_cast %scan3A_213#7 : vector<16xf32> to vector<1x16xf32>
      tpu.vector_store %arg10[%swap3A_250, %swap3A_251], %swap3A_254 {strides = array<i32>} : memref<128x128xf32, #tpu.memory_space<vmem>>, vector<1x16xf32>,
      %add3A_255 = arith.constant 2 : i32
      %add3A_256 = arith.addi %mul3A_71, %add3A_255 : i32
      %add3A_257 = arith.constant 4 : i32
      %add3A_258 = arith.addi %add3A_256, %add3A_257 : i32
      %sub3A_259 = arith.constant 1 : i32
      %sub3A_260 = arith.subi %add3A_258, %sub3A_259 : i32
      %lt3A_261 = arith.constant 128 : i32
      %lt3A_262 = arith.cmpi slt, %sub3A_260, %lt3A_261 : i32
      %convert_element_type3A_263 = arith.extui %lt3A_262 : i1 to i32
      %cond3A_264 = arith.constant 0 : i32
      %cond3A_265 = arith.cmpi ne, %convert_element_type3A_263, %cond3A_264 : i32
      scf.if %cond3A_265 {
        %add3A_445 = arith.constant 2 : i32
        %add3A_446 = arith.addi %mul3A_71, %add3A_445 : i32
        %add3A_447 = arith.constant 4 : i32
        %add3A_448 = arith.addi %add3A_446, %add3A_447 : i32
        %sub3A_449 = arith.constant 1 : i32
        %sub3A_450 = arith.subi %add3A_448, %sub3A_449 : i32
        %mul3A_451 = arith.constant 2 : i32
        %mul3A_452 = arith.muli %mul3A_451, %sub3A_450 : i32
        %dma_start3A_453 = arith.constant 0 : i32
        %dma_start3A_454 = arith.constant 0 : i32
        %dma_start3A_455 = tpu.memref_slice %arg7[%dma_start3A_453, %dma_start3A_454] : memref<200x64xi32, #tpu.memory_space<vmem>> -> memref<96x64xi32, #tpu.memory_space<vmem>>
        %dma_start3A_456 = arith.constant 0 : i32
        %dma_start3A_457 = tpu.memref_slice %arg5[%mul3A_452, %dma_start3A_456] : memref<256x128xi32, #tpu.memory_space<vmem>> -> memref<1x96xi32, #tpu.memory_space<vmem>>
        %dma_start3A_458 = tpu.memref_squeeze %dma_start3A_457 : memref<1x96xi32, #tpu.memory_space<vmem>> -> memref<96xi32, #tpu.memory_space<vmem>>
        %dma_start3A_459 = arith.constant 0 : i32
        %dma_start3A_460 = arith.constant 0 : i32
        %dma_start3A_461 = tpu.memref_slice %arg2[%dma_start3A_459, %dma_start3A_460] : memref<100000x64xi32, #tpu.memory_space<hbm>> -> memref<100000x64xi32, #tpu.memory_space<hbm>>
        tpu.enqueue_indirect_dma source(%dma_start3A_461 : memref<100000x64xi32, #tpu.memory_space<hbm>>) target(%dma_start3A_455 : memref<96x64xi32, #tpu.memory_space<vmem>>) offsets(%dma_start3A_458 : memref<96xi32, #tpu.memory_space<vmem>>) semaphore(%arg12 : memref<!tpu.dma_semaphore, #tpu.memory_space<semaphore_mem>>)
        %mul3A_462 = arith.constant 2 : i32
        %mul3A_463 = arith.muli %mul3A_462, %sub3A_450 : i32
        %add3A_464 = arith.constant 1 : i32
        %add3A_465 = arith.addi %mul3A_463, %add3A_464 : i32
        %dma_start3A_466 = arith.constant 96 : i32
        %dma_start3A_467 = arith.constant 0 : i32
        %dma_start3A_468 = tpu.memref_slice %arg7[%dma_start3A_466, %dma_start3A_467] : memref<200x64xi32, #tpu.memory_space<vmem>> -> memref<104x64xi32, #tpu.memory_space<vmem>>
        %dma_start3A_469 = arith.constant 0 : i32
        %dma_start3A_470 = tpu.memref_slice %arg5[%add3A_465, %dma_start3A_469] : memref<256x128xi32, #tpu.memory_space<vmem>> -> memref<1x104xi32, #tpu.memory_space<vmem>>
        %dma_start3A_471 = tpu.memref_squeeze %dma_start3A_470 : memref<1x104xi32, #tpu.memory_space<vmem>> -> memref<104xi32, #tpu.memory_space<vmem>>
        %dma_start3A_472 = arith.constant 0 : i32
        %dma_start3A_473 = arith.constant 0 : i32
        %dma_start3A_474 = tpu.memref_slice %arg2[%dma_start3A_472, %dma_start3A_473] : memref<100000x64xi32, #tpu.memory_space<hbm>> -> memref<100000x64xi32, #tpu.memory_space<hbm>>
        tpu.enqueue_indirect_dma source(%dma_start3A_474 : memref<100000x64xi32, #tpu.memory_space<hbm>>) target(%dma_start3A_468 : memref<104x64xi32, #tpu.memory_space<vmem>>) offsets(%dma_start3A_471 : memref<104xi32, #tpu.memory_space<vmem>>) semaphore(%arg12 : memref<!tpu.dma_semaphore, #tpu.memory_space<semaphore_mem>>)
      } else {
      }
      %dma_wait3A_266 = arith.constant 0 : i32
      %dma_wait3A_267 = arith.constant 0 : i32
      %dma_wait3A_268 = arith.constant 0 : i32
      %dma_wait3A_269 = tpu.memref_slice %arg8[%dma_wait3A_267, %dma_wait3A_268] : memref<200x64xi32, #tpu.memory_space<vmem>> -> memref<96x64xi32, #tpu.memory_space<vmem>>
      %dma_wait3A_270 = arith.constant 0 : i32
      %dma_wait3A_271 = tpu.memref_slice %arg5[%dma_wait3A_266, %dma_wait3A_270] : memref<256x128xi32, #tpu.memory_space<vmem>> -> memref<1x96xi32, #tpu.memory_space<vmem>>
      %dma_wait3A_272 = tpu.memref_squeeze %dma_wait3A_271 : memref<1x96xi32, #tpu.memory_space<vmem>> -> memref<96xi32, #tpu.memory_space<vmem>>
      %dma_wait3A_273 = arith.constant 0 : i32
      %dma_wait3A_274 = arith.constant 0 : i32
      %dma_wait3A_275 = tpu.memref_slice %arg2[%dma_wait3A_273, %dma_wait3A_274] : memref<100000x64xi32, #tpu.memory_space<hbm>> -> memref<100000x64xi32, #tpu.memory_space<hbm>>
      tpu.wait_indirect_dma semaphore(%arg13 : memref<!tpu.dma_semaphore, #tpu.memory_space<semaphore_mem>>) src(%dma_wait3A_275 : memref<100000x64xi32, #tpu.memory_space<hbm>>) dst(%dma_wait3A_269 : memref<96x64xi32, #tpu.memory_space<vmem>>)
      %dma_wait3A_276 = arith.constant 0 : i32
      %dma_wait3A_277 = arith.constant 96 : i32
      %dma_wait3A_278 = arith.constant 0 : i32
      %dma_wait3A_279 = tpu.memref_slice %arg8[%dma_wait3A_277, %dma_wait3A_278] : memref<200x64xi32, #tpu.memory_space<vmem>> -> memref<104x64xi32, #tpu.memory_space<vmem>>
      %dma_wait3A_280 = arith.constant 0 : i32
      %dma_wait3A_281 = tpu.memref_slice %arg5[%dma_wait3A_276, %dma_wait3A_280] : memref<256x128xi32, #tpu.memory_space<vmem>> -> memref<1x104xi32, #tpu.memory_space<vmem>>
      %dma_wait3A_282 = tpu.memref_squeeze %dma_wait3A_281 : memref<1x104xi32, #tpu.memory_space<vmem>> -> memref<104xi32, #tpu.memory_space<vmem>>
      %dma_wait3A_283 = arith.constant 0 : i32
      %dma_wait3A_284 = arith.constant 0 : i32
      %dma_wait3A_285 = tpu.memref_slice %arg2[%dma_wait3A_283, %dma_wait3A_284] : memref<100000x64xi32, #tpu.memory_space<hbm>> -> memref<100000x64xi32, #tpu.memory_space<hbm>>
      tpu.wait_indirect_dma semaphore(%arg13 : memref<!tpu.dma_semaphore, #tpu.memory_space<semaphore_mem>>) src(%dma_wait3A_285 : memref<100000x64xi32, #tpu.memory_space<hbm>>) dst(%dma_wait3A_279 : memref<104x64xi32, #tpu.memory_space<vmem>>)
      %add3A_286 = arith.constant 2 : i32
      %add3A_287 = arith.addi %mul3A_71, %add3A_286 : i32
      %broadcast_in_dim3A_288 = arith.constant 0.000000e+00 : f32
      %broadcast_in_dim3A_289 = vector.broadcast %broadcast_in_dim3A_288 : f32 to vector<16xf32>
      %broadcast_in_dim3A_290 = arith.constant 0.000000e+00 : f32
      %broadcast_in_dim3A_291 = vector.broadcast %broadcast_in_dim3A_290 : f32 to vector<16xf32>
      %broadcast_in_dim3A_292 = arith.constant 0.000000e+00 : f32
      %broadcast_in_dim3A_293 = vector.broadcast %broadcast_in_dim3A_292 : f32 to vector<16xf32>
      %broadcast_in_dim3A_294 = arith.constant 0.000000e+00 : f32
      %broadcast_in_dim3A_295 = vector.broadcast %broadcast_in_dim3A_294 : f32 to vector<16xf32>
      %broadcast_in_dim3A_296 = arith.constant 0.000000e+00 : f32
      %broadcast_in_dim3A_297 = vector.broadcast %broadcast_in_dim3A_296 : f32 to vector<16xf32>
      %broadcast_in_dim3A_298 = arith.constant 0.000000e+00 : f32
      %broadcast_in_dim3A_299 = vector.broadcast %broadcast_in_dim3A_298 : f32 to vector<16xf32>
      %broadcast_in_dim3A_300 = arith.constant 0.000000e+00 : f32
      %broadcast_in_dim3A_301 = vector.broadcast %broadcast_in_dim3A_300 : f32 to vector<16xf32>
      %broadcast_in_dim3A_302 = arith.constant 0.000000e+00 : f32
      %broadcast_in_dim3A_303 = vector.broadcast %broadcast_in_dim3A_302 : f32 to vector<16xf32>
      %scan3A_304 = arith.constant 0 : i32
      %scan3A_305 = arith.constant 50 : i32
      %scan3A_306 = arith.addi %scan3A_304, %scan3A_305 : i32
      %scan3A_307 = arith.constant 1 : i32
      %scan3A_308:8 = scf.for %scan3A_445 = %scan3A_304 to %scan3A_306 step %scan3A_307 iter_args(%scan3A_446 = %broadcast_in_dim3A_289, %scan3A_447 = %broadcast_in_dim3A_291, %scan3A_448 = %broadcast_in_dim3A_293, %scan3A_449 = %broadcast_in_dim3A_295, %scan3A_450 = %broadcast_in_dim3A_297, %scan3A_451 = %broadcast_in_dim3A_299, %scan3A_452 = %broadcast_in_dim3A_301, %scan3A_453 = %broadcast_in_dim3A_303) -> (vector<16xf32>, vector<16xf32>, vector<16xf32>, vector<16xf32>, vector<16xf32>, vector<16xf32>, vector<16xf32>, vector<16xf32>)  : i32 {
        %mul3A_454 = arith.constant 4 : i32
        %mul3A_455 = arith.muli %mul3A_454, %scan3A_445 : i32
        %add3A_456 = arith.constant 0 : i32
        %add3A_457 = arith.addi %mul3A_455, %add3A_456 : i32
        %get3A = arith.index_cast %add3A_457 : i32 to index
        %get3A_458 = arith.constant 0 : index
        %get3A_459 = tpu.vector_load %arg8[%get3A, %get3A_458] {strides = array<i32>} : memref<200x64xi32, #tpu.memory_space<vmem>>, vector<1x16xi32>,
        %get3A_460 = vector.shape_cast %get3A_459 : vector<1x16xi32> to vector<16xi32>
        %shift_left3A = arith.constant 16 : i32
        %shift_left3A_461 = vector.broadcast %shift_left3A : i32 to vector<16xi32>
        %shift_left3A_462 = arith.shli %get3A_460, %shift_left3A_461 : vector<16xi32>
        %bitcast_convert_type3A = tpu.bitcast %shift_left3A_462 : vector<16xi32> -> vector<16xf32>
        %and3A = arith.constant -65536 : i32
        %and3A_463 = vector.broadcast %and3A : i32 to vector<16xi32>
        %and3A_464 = arith.andi %get3A_460, %and3A_463 : vector<16xi32>
        %bitcast_convert_type3A_465 = tpu.bitcast %and3A_464 : vector<16xi32> -> vector<16xf32>
        %add3A_466 = arith.addf %scan3A_446, %bitcast_convert_type3A : vector<16xf32>
        %add3A_467 = arith.addf %scan3A_450, %bitcast_convert_type3A_465 : vector<16xf32>
        %get3A_468 = arith.index_cast %add3A_457 : i32 to index
        %get3A_469 = arith.constant 16 : index
        %get3A_470 = tpu.vector_load %arg8[%get3A_468, %get3A_469] {strides = array<i32>} : memref<200x64xi32, #tpu.memory_space<vmem>>, vector<1x16xi32>,
        %get3A_471 = vector.shape_cast %get3A_470 : vector<1x16xi32> to vector<16xi32>
        %shift_left3A_472 = arith.constant 16 : i32
        %shift_left3A_473 = vector.broadcast %shift_left3A_472 : i32 to vector<16xi32>
        %shift_left3A_474 = arith.shli %get3A_471, %shift_left3A_473 : vector<16xi32>
        %bitcast_convert_type3A_475 = tpu.bitcast %shift_left3A_474 : vector<16xi32> -> vector<16xf32>
        %and3A_476 = arith.constant -65536 : i32
        %and3A_477 = vector.broadcast %and3A_476 : i32 to vector<16xi32>
        %and3A_478 = arith.andi %get3A_471, %and3A_477 : vector<16xi32>
        %bitcast_convert_type3A_479 = tpu.bitcast %and3A_478 : vector<16xi32> -> vector<16xf32>
        %add3A_480 = arith.addf %scan3A_447, %bitcast_convert_type3A_475 : vector<16xf32>
        %add3A_481 = arith.addf %scan3A_451, %bitcast_convert_type3A_479 : vector<16xf32>
        %get3A_482 = arith.index_cast %add3A_457 : i32 to index
        %get3A_483 = arith.constant 32 : index
        %get3A_484 = tpu.vector_load %arg8[%get3A_482, %get3A_483] {strides = array<i32>} : memref<200x64xi32, #tpu.memory_space<vmem>>, vector<1x16xi32>,
        %get3A_485 = vector.shape_cast %get3A_484 : vector<1x16xi32> to vector<16xi32>
        %shift_left3A_486 = arith.constant 16 : i32
        %shift_left3A_487 = vector.broadcast %shift_left3A_486 : i32 to vector<16xi32>
        %shift_left3A_488 = arith.shli %get3A_485, %shift_left3A_487 : vector<16xi32>
        %bitcast_convert_type3A_489 = tpu.bitcast %shift_left3A_488 : vector<16xi32> -> vector<16xf32>
        %and3A_490 = arith.constant -65536 : i32
        %and3A_491 = vector.broadcast %and3A_490 : i32 to vector<16xi32>
        %and3A_492 = arith.andi %get3A_485, %and3A_491 : vector<16xi32>
        %bitcast_convert_type3A_493 = tpu.bitcast %and3A_492 : vector<16xi32> -> vector<16xf32>
        %add3A_494 = arith.addf %scan3A_448, %bitcast_convert_type3A_489 : vector<16xf32>
        %add3A_495 = arith.addf %scan3A_452, %bitcast_convert_type3A_493 : vector<16xf32>
        %get3A_496 = arith.index_cast %add3A_457 : i32 to index
        %get3A_497 = arith.constant 48 : index
        %get3A_498 = tpu.vector_load %arg8[%get3A_496, %get3A_497] {strides = array<i32>} : memref<200x64xi32, #tpu.memory_space<vmem>>, vector<1x16xi32>,
        %get3A_499 = vector.shape_cast %get3A_498 : vector<1x16xi32> to vector<16xi32>
        %shift_left3A_500 = arith.constant 16 : i32
        %shift_left3A_501 = vector.broadcast %shift_left3A_500 : i32 to vector<16xi32>
        %shift_left3A_502 = arith.shli %get3A_499, %shift_left3A_501 : vector<16xi32>
        %bitcast_convert_type3A_503 = tpu.bitcast %shift_left3A_502 : vector<16xi32> -> vector<16xf32>
        %and3A_504 = arith.constant -65536 : i32
        %and3A_505 = vector.broadcast %and3A_504 : i32 to vector<16xi32>
        %and3A_506 = arith.andi %get3A_499, %and3A_505 : vector<16xi32>
        %bitcast_convert_type3A_507 = tpu.bitcast %and3A_506 : vector<16xi32> -> vector<16xf32>
        %add3A_508 = arith.addf %scan3A_449, %bitcast_convert_type3A_503 : vector<16xf32>
        %add3A_509 = arith.addf %scan3A_453, %bitcast_convert_type3A_507 : vector<16xf32>
        %mul3A_510 = arith.constant 4 : i32
        %mul3A_511 = arith.muli %mul3A_510, %scan3A_445 : i32
        %add3A_512 = arith.constant 1 : i32
        %add3A_513 = arith.addi %mul3A_511, %add3A_512 : i32
        %get3A_514 = arith.index_cast %add3A_513 : i32 to index
        %get3A_515 = arith.constant 0 : index
        %get3A_516 = tpu.vector_load %arg8[%get3A_514, %get3A_515] {strides = array<i32>} : memref<200x64xi32, #tpu.memory_space<vmem>>, vector<1x16xi32>,
        %get3A_517 = vector.shape_cast %get3A_516 : vector<1x16xi32> to vector<16xi32>
        %shift_left3A_518 = arith.constant 16 : i32
        %shift_left3A_519 = vector.broadcast %shift_left3A_518 : i32 to vector<16xi32>
        %shift_left3A_520 = arith.shli %get3A_517, %shift_left3A_519 : vector<16xi32>
        %bitcast_convert_type3A_521 = tpu.bitcast %shift_left3A_520 : vector<16xi32> -> vector<16xf32>
        %and3A_522 = arith.constant -65536 : i32
        %and3A_523 = vector.broadcast %and3A_522 : i32 to vector<16xi32>
        %and3A_524 = arith.andi %get3A_517, %and3A_523 : vector<16xi32>
        %bitcast_convert_type3A_525 = tpu.bitcast %and3A_524 : vector<16xi32> -> vector<16xf32>
        %add3A_526 = arith.addf %add3A_466, %bitcast_convert_type3A_521 : vector<16xf32>
        %add3A_527 = arith.addf %add3A_467, %bitcast_convert_type3A_525 : vector<16xf32>
        %get3A_528 = arith.index_cast %add3A_513 : i32 to index
        %get3A_529 = arith.constant 16 : index
        %get3A_530 = tpu.vector_load %arg8[%get3A_528, %get3A_529] {strides = array<i32>} : memref<200x64xi32, #tpu.memory_space<vmem>>, vector<1x16xi32>,
        %get3A_531 = vector.shape_cast %get3A_530 : vector<1x16xi32> to vector<16xi32>
        %shift_left3A_532 = arith.constant 16 : i32
        %shift_left3A_533 = vector.broadcast %shift_left3A_532 : i32 to vector<16xi32>
        %shift_left3A_534 = arith.shli %get3A_531, %shift_left3A_533 : vector<16xi32>
        %bitcast_convert_type3A_535 = tpu.bitcast %shift_left3A_534 : vector<16xi32> -> vector<16xf32>
        %and3A_536 = arith.constant -65536 : i32
        %and3A_537 = vector.broadcast %and3A_536 : i32 to vector<16xi32>
        %and3A_538 = arith.andi %get3A_531, %and3A_537 : vector<16xi32>
        %bitcast_convert_type3A_539 = tpu.bitcast %and3A_538 : vector<16xi32> -> vector<16xf32>
        %add3A_540 = arith.addf %add3A_480, %bitcast_convert_type3A_535 : vector<16xf32>
        %add3A_541 = arith.addf %add3A_481, %bitcast_convert_type3A_539 : vector<16xf32>
        %get3A_542 = arith.index_cast %add3A_513 : i32 to index
        %get3A_543 = arith.constant 32 : index
        %get3A_544 = tpu.vector_load %arg8[%get3A_542, %get3A_543] {strides = array<i32>} : memref<200x64xi32, #tpu.memory_space<vmem>>, vector<1x16xi32>,
        %get3A_545 = vector.shape_cast %get3A_544 : vector<1x16xi32> to vector<16xi32>
        %shift_left3A_546 = arith.constant 16 : i32
        %shift_left3A_547 = vector.broadcast %shift_left3A_546 : i32 to vector<16xi32>
        %shift_left3A_548 = arith.shli %get3A_545, %shift_left3A_547 : vector<16xi32>
        %bitcast_convert_type3A_549 = tpu.bitcast %shift_left3A_548 : vector<16xi32> -> vector<16xf32>
        %and3A_550 = arith.constant -65536 : i32
        %and3A_551 = vector.broadcast %and3A_550 : i32 to vector<16xi32>
        %and3A_552 = arith.andi %get3A_545, %and3A_551 : vector<16xi32>
        %bitcast_convert_type3A_553 = tpu.bitcast %and3A_552 : vector<16xi32> -> vector<16xf32>
        %add3A_554 = arith.addf %add3A_494, %bitcast_convert_type3A_549 : vector<16xf32>
        %add3A_555 = arith.addf %add3A_495, %bitcast_convert_type3A_553 : vector<16xf32>
        %get3A_556 = arith.index_cast %add3A_513 : i32 to index
        %get3A_557 = arith.constant 48 : index
        %get3A_558 = tpu.vector_load %arg8[%get3A_556, %get3A_557] {strides = array<i32>} : memref<200x64xi32, #tpu.memory_space<vmem>>, vector<1x16xi32>,
        %get3A_559 = vector.shape_cast %get3A_558 : vector<1x16xi32> to vector<16xi32>
        %shift_left3A_560 = arith.constant 16 : i32
        %shift_left3A_561 = vector.broadcast %shift_left3A_560 : i32 to vector<16xi32>
        %shift_left3A_562 = arith.shli %get3A_559, %shift_left3A_561 : vector<16xi32>
        %bitcast_convert_type3A_563 = tpu.bitcast %shift_left3A_562 : vector<16xi32> -> vector<16xf32>
        %and3A_564 = arith.constant -65536 : i32
        %and3A_565 = vector.broadcast %and3A_564 : i32 to vector<16xi32>
        %and3A_566 = arith.andi %get3A_559, %and3A_565 : vector<16xi32>
        %bitcast_convert_type3A_567 = tpu.bitcast %and3A_566 : vector<16xi32> -> vector<16xf32>
        %add3A_568 = arith.addf %add3A_508, %bitcast_convert_type3A_563 : vector<16xf32>
        %add3A_569 = arith.addf %add3A_509, %bitcast_convert_type3A_567 : vector<16xf32>
        %mul3A_570 = arith.constant 4 : i32
        %mul3A_571 = arith.muli %mul3A_570, %scan3A_445 : i32
        %add3A_572 = arith.constant 2 : i32
        %add3A_573 = arith.addi %mul3A_571, %add3A_572 : i32
        %get3A_574 = arith.index_cast %add3A_573 : i32 to index
        %get3A_575 = arith.constant 0 : index
        %get3A_576 = tpu.vector_load %arg8[%get3A_574, %get3A_575] {strides = array<i32>} : memref<200x64xi32, #tpu.memory_space<vmem>>, vector<1x16xi32>,
        %get3A_577 = vector.shape_cast %get3A_576 : vector<1x16xi32> to vector<16xi32>
        %shift_left3A_578 = arith.constant 16 : i32
        %shift_left3A_579 = vector.broadcast %shift_left3A_578 : i32 to vector<16xi32>
        %shift_left3A_580 = arith.shli %get3A_577, %shift_left3A_579 : vector<16xi32>
        %bitcast_convert_type3A_581 = tpu.bitcast %shift_left3A_580 : vector<16xi32> -> vector<16xf32>
        %and3A_582 = arith.constant -65536 : i32
        %and3A_583 = vector.broadcast %and3A_582 : i32 to vector<16xi32>
        %and3A_584 = arith.andi %get3A_577, %and3A_583 : vector<16xi32>
        %bitcast_convert_type3A_585 = tpu.bitcast %and3A_584 : vector<16xi32> -> vector<16xf32>
        %add3A_586 = arith.addf %add3A_526, %bitcast_convert_type3A_581 : vector<16xf32>
        %add3A_587 = arith.addf %add3A_527, %bitcast_convert_type3A_585 : vector<16xf32>
        %get3A_588 = arith.index_cast %add3A_573 : i32 to index
        %get3A_589 = arith.constant 16 : index
        %get3A_590 = tpu.vector_load %arg8[%get3A_588, %get3A_589] {strides = array<i32>} : memref<200x64xi32, #tpu.memory_space<vmem>>, vector<1x16xi32>,
        %get3A_591 = vector.shape_cast %get3A_590 : vector<1x16xi32> to vector<16xi32>
        %shift_left3A_592 = arith.constant 16 : i32
        %shift_left3A_593 = vector.broadcast %shift_left3A_592 : i32 to vector<16xi32>
        %shift_left3A_594 = arith.shli %get3A_591, %shift_left3A_593 : vector<16xi32>
        %bitcast_convert_type3A_595 = tpu.bitcast %shift_left3A_594 : vector<16xi32> -> vector<16xf32>
        %and3A_596 = arith.constant -65536 : i32
        %and3A_597 = vector.broadcast %and3A_596 : i32 to vector<16xi32>
        %and3A_598 = arith.andi %get3A_591, %and3A_597 : vector<16xi32>
        %bitcast_convert_type3A_599 = tpu.bitcast %and3A_598 : vector<16xi32> -> vector<16xf32>
        %add3A_600 = arith.addf %add3A_540, %bitcast_convert_type3A_595 : vector<16xf32>
        %add3A_601 = arith.addf %add3A_541, %bitcast_convert_type3A_599 : vector<16xf32>
        %get3A_602 = arith.index_cast %add3A_573 : i32 to index
        %get3A_603 = arith.constant 32 : index
        %get3A_604 = tpu.vector_load %arg8[%get3A_602, %get3A_603] {strides = array<i32>} : memref<200x64xi32, #tpu.memory_space<vmem>>, vector<1x16xi32>,
        %get3A_605 = vector.shape_cast %get3A_604 : vector<1x16xi32> to vector<16xi32>
        %shift_left3A_606 = arith.constant 16 : i32
        %shift_left3A_607 = vector.broadcast %shift_left3A_606 : i32 to vector<16xi32>
        %shift_left3A_608 = arith.shli %get3A_605, %shift_left3A_607 : vector<16xi32>
        %bitcast_convert_type3A_609 = tpu.bitcast %shift_left3A_608 : vector<16xi32> -> vector<16xf32>
        %and3A_610 = arith.constant -65536 : i32
        %and3A_611 = vector.broadcast %and3A_610 : i32 to vector<16xi32>
        %and3A_612 = arith.andi %get3A_605, %and3A_611 : vector<16xi32>
        %bitcast_convert_type3A_613 = tpu.bitcast %and3A_612 : vector<16xi32> -> vector<16xf32>
        %add3A_614 = arith.addf %add3A_554, %bitcast_convert_type3A_609 : vector<16xf32>
        %add3A_615 = arith.addf %add3A_555, %bitcast_convert_type3A_613 : vector<16xf32>
        %get3A_616 = arith.index_cast %add3A_573 : i32 to index
        %get3A_617 = arith.constant 48 : index
        %get3A_618 = tpu.vector_load %arg8[%get3A_616, %get3A_617] {strides = array<i32>} : memref<200x64xi32, #tpu.memory_space<vmem>>, vector<1x16xi32>,
        %get3A_619 = vector.shape_cast %get3A_618 : vector<1x16xi32> to vector<16xi32>
        %shift_left3A_620 = arith.constant 16 : i32
        %shift_left3A_621 = vector.broadcast %shift_left3A_620 : i32 to vector<16xi32>
        %shift_left3A_622 = arith.shli %get3A_619, %shift_left3A_621 : vector<16xi32>
        %bitcast_convert_type3A_623 = tpu.bitcast %shift_left3A_622 : vector<16xi32> -> vector<16xf32>
        %and3A_624 = arith.constant -65536 : i32
        %and3A_625 = vector.broadcast %and3A_624 : i32 to vector<16xi32>
        %and3A_626 = arith.andi %get3A_619, %and3A_625 : vector<16xi32>
        %bitcast_convert_type3A_627 = tpu.bitcast %and3A_626 : vector<16xi32> -> vector<16xf32>
        %add3A_628 = arith.addf %add3A_568, %bitcast_convert_type3A_623 : vector<16xf32>
        %add3A_629 = arith.addf %add3A_569, %bitcast_convert_type3A_627 : vector<16xf32>
        %mul3A_630 = arith.constant 4 : i32
        %mul3A_631 = arith.muli %mul3A_630, %scan3A_445 : i32
        %add3A_632 = arith.constant 3 : i32
        %add3A_633 = arith.addi %mul3A_631, %add3A_632 : i32
        %get3A_634 = arith.index_cast %add3A_633 : i32 to index
        %get3A_635 = arith.constant 0 : index
        %get3A_636 = tpu.vector_load %arg8[%get3A_634, %get3A_635] {strides = array<i32>} : memref<200x64xi32, #tpu.memory_space<vmem>>, vector<1x16xi32>,
        %get3A_637 = vector.shape_cast %get3A_636 : vector<1x16xi32> to vector<16xi32>
        %shift_left3A_638 = arith.constant 16 : i32
        %shift_left3A_639 = vector.broadcast %shift_left3A_638 : i32 to vector<16xi32>
        %shift_left3A_640 = arith.shli %get3A_637, %shift_left3A_639 : vector<16xi32>
        %bitcast_convert_type3A_641 = tpu.bitcast %shift_left3A_640 : vector<16xi32> -> vector<16xf32>
        %and3A_642 = arith.constant -65536 : i32
        %and3A_643 = vector.broadcast %and3A_642 : i32 to vector<16xi32>
        %and3A_644 = arith.andi %get3A_637, %and3A_643 : vector<16xi32>
        %bitcast_convert_type3A_645 = tpu.bitcast %and3A_644 : vector<16xi32> -> vector<16xf32>
        %add3A_646 = arith.addf %add3A_586, %bitcast_convert_type3A_641 : vector<16xf32>
        %add3A_647 = arith.addf %add3A_587, %bitcast_convert_type3A_645 : vector<16xf32>
        %get3A_648 = arith.index_cast %add3A_633 : i32 to index
        %get3A_649 = arith.constant 16 : index
        %get3A_650 = tpu.vector_load %arg8[%get3A_648, %get3A_649] {strides = array<i32>} : memref<200x64xi32, #tpu.memory_space<vmem>>, vector<1x16xi32>,
        %get3A_651 = vector.shape_cast %get3A_650 : vector<1x16xi32> to vector<16xi32>
        %shift_left3A_652 = arith.constant 16 : i32
        %shift_left3A_653 = vector.broadcast %shift_left3A_652 : i32 to vector<16xi32>
        %shift_left3A_654 = arith.shli %get3A_651, %shift_left3A_653 : vector<16xi32>
        %bitcast_convert_type3A_655 = tpu.bitcast %shift_left3A_654 : vector<16xi32> -> vector<16xf32>
        %and3A_656 = arith.constant -65536 : i32
        %and3A_657 = vector.broadcast %and3A_656 : i32 to vector<16xi32>
        %and3A_658 = arith.andi %get3A_651, %and3A_657 : vector<16xi32>
        %bitcast_convert_type3A_659 = tpu.bitcast %and3A_658 : vector<16xi32> -> vector<16xf32>
        %add3A_660 = arith.addf %add3A_600, %bitcast_convert_type3A_655 : vector<16xf32>
        %add3A_661 = arith.addf %add3A_601, %bitcast_convert_type3A_659 : vector<16xf32>
        %get3A_662 = arith.index_cast %add3A_633 : i32 to index
        %get3A_663 = arith.constant 32 : index
        %get3A_664 = tpu.vector_load %arg8[%get3A_662, %get3A_663] {strides = array<i32>} : memref<200x64xi32, #tpu.memory_space<vmem>>, vector<1x16xi32>,
        %get3A_665 = vector.shape_cast %get3A_664 : vector<1x16xi32> to vector<16xi32>
        %shift_left3A_666 = arith.constant 16 : i32
        %shift_left3A_667 = vector.broadcast %shift_left3A_666 : i32 to vector<16xi32>
        %shift_left3A_668 = arith.shli %get3A_665, %shift_left3A_667 : vector<16xi32>
        %bitcast_convert_type3A_669 = tpu.bitcast %shift_left3A_668 : vector<16xi32> -> vector<16xf32>
        %and3A_670 = arith.constant -65536 : i32
        %and3A_671 = vector.broadcast %and3A_670 : i32 to vector<16xi32>
        %and3A_672 = arith.andi %get3A_665, %and3A_671 : vector<16xi32>
        %bitcast_convert_type3A_673 = tpu.bitcast %and3A_672 : vector<16xi32> -> vector<16xf32>
        %add3A_674 = arith.addf %add3A_614, %bitcast_convert_type3A_669 : vector<16xf32>
        %add3A_675 = arith.addf %add3A_615, %bitcast_convert_type3A_673 : vector<16xf32>
        %get3A_676 = arith.index_cast %add3A_633 : i32 to index
        %get3A_677 = arith.constant 48 : index
        %get3A_678 = tpu.vector_load %arg8[%get3A_676, %get3A_677] {strides = array<i32>} : memref<200x64xi32, #tpu.memory_space<vmem>>, vector<1x16xi32>,
        %get3A_679 = vector.shape_cast %get3A_678 : vector<1x16xi32> to vector<16xi32>
        %shift_left3A_680 = arith.constant 16 : i32
        %shift_left3A_681 = vector.broadcast %shift_left3A_680 : i32 to vector<16xi32>
        %shift_left3A_682 = arith.shli %get3A_679, %shift_left3A_681 : vector<16xi32>
        %bitcast_convert_type3A_683 = tpu.bitcast %shift_left3A_682 : vector<16xi32> -> vector<16xf32>
        %and3A_684 = arith.constant -65536 : i32
        %and3A_685 = vector.broadcast %and3A_684 : i32 to vector<16xi32>
        %and3A_686 = arith.andi %get3A_679, %and3A_685 : vector<16xi32>
        %bitcast_convert_type3A_687 = tpu.bitcast %and3A_686 : vector<16xi32> -> vector<16xf32>
        %add3A_688 = arith.addf %add3A_628, %bitcast_convert_type3A_683 : vector<16xf32>
        %add3A_689 = arith.addf %add3A_629, %bitcast_convert_type3A_687 : vector<16xf32>
        scf.yield %add3A_646, %add3A_660, %add3A_674, %add3A_688, %add3A_647, %add3A_661, %add3A_675, %add3A_689 : vector<16xf32>, vector<16xf32>, vector<16xf32>, vector<16xf32>, vector<16xf32>, vector<16xf32>, vector<16xf32>, vector<16xf32>
      }
      %scan3A_309 = arith.constant 50 : i32
      %swap3A_310 = arith.index_cast %add3A_287 : i32 to index
      %swap3A_311 = arith.constant 0 : index
      %swap3A_312 = tpu.vector_load %arg10[%swap3A_310, %swap3A_311] {strides = array<i32>} : memref<128x128xf32, #tpu.memory_space<vmem>>, vector<1x16xf32>,
      %swap3A_313 = vector.shape_cast %swap3A_312 : vector<1x16xf32> to vector<16xf32>
      %swap3A_314 = vector.shape_cast %scan3A_308#0 : vector<16xf32> to vector<1x16xf32>
      tpu.vector_store %arg10[%swap3A_310, %swap3A_311], %swap3A_314 {strides = array<i32>} : memref<128x128xf32, #tpu.memory_space<vmem>>, vector<1x16xf32>,
      %swap3A_315 = arith.index_cast %add3A_287 : i32 to index
      %swap3A_316 = arith.constant 16 : index
      %swap3A_317 = tpu.vector_load %arg10[%swap3A_315, %swap3A_316] {strides = array<i32>} : memref<128x128xf32, #tpu.memory_space<vmem>>, vector<1x16xf32>,
      %swap3A_318 = vector.shape_cast %swap3A_317 : vector<1x16xf32> to vector<16xf32>
      %swap3A_319 = vector.shape_cast %scan3A_308#1 : vector<16xf32> to vector<1x16xf32>
      tpu.vector_store %arg10[%swap3A_315, %swap3A_316], %swap3A_319 {strides = array<i32>} : memref<128x128xf32, #tpu.memory_space<vmem>>, vector<1x16xf32>,
      %swap3A_320 = arith.index_cast %add3A_287 : i32 to index
      %swap3A_321 = arith.constant 32 : index
      %swap3A_322 = tpu.vector_load %arg10[%swap3A_320, %swap3A_321] {strides = array<i32>} : memref<128x128xf32, #tpu.memory_space<vmem>>, vector<1x16xf32>,
      %swap3A_323 = vector.shape_cast %swap3A_322 : vector<1x16xf32> to vector<16xf32>
      %swap3A_324 = vector.shape_cast %scan3A_308#2 : vector<16xf32> to vector<1x16xf32>
      tpu.vector_store %arg10[%swap3A_320, %swap3A_321], %swap3A_324 {strides = array<i32>} : memref<128x128xf32, #tpu.memory_space<vmem>>, vector<1x16xf32>,
      %swap3A_325 = arith.index_cast %add3A_287 : i32 to index
      %swap3A_326 = arith.constant 48 : index
      %swap3A_327 = tpu.vector_load %arg10[%swap3A_325, %swap3A_326] {strides = array<i32>} : memref<128x128xf32, #tpu.memory_space<vmem>>, vector<1x16xf32>,
      %swap3A_328 = vector.shape_cast %swap3A_327 : vector<1x16xf32> to vector<16xf32>
      %swap3A_329 = vector.shape_cast %scan3A_308#3 : vector<16xf32> to vector<1x16xf32>
      tpu.vector_store %arg10[%swap3A_325, %swap3A_326], %swap3A_329 {strides = array<i32>} : memref<128x128xf32, #tpu.memory_space<vmem>>, vector<1x16xf32>,
      %swap3A_330 = arith.index_cast %add3A_287 : i32 to index
      %swap3A_331 = arith.constant 64 : index
      %swap3A_332 = tpu.vector_load %arg10[%swap3A_330, %swap3A_331] {strides = array<i32>} : memref<128x128xf32, #tpu.memory_space<vmem>>, vector<1x16xf32>,
      %swap3A_333 = vector.shape_cast %swap3A_332 : vector<1x16xf32> to vector<16xf32>
      %swap3A_334 = vector.shape_cast %scan3A_308#4 : vector<16xf32> to vector<1x16xf32>
      tpu.vector_store %arg10[%swap3A_330, %swap3A_331], %swap3A_334 {strides = array<i32>} : memref<128x128xf32, #tpu.memory_space<vmem>>, vector<1x16xf32>,
      %swap3A_335 = arith.index_cast %add3A_287 : i32 to index
      %swap3A_336 = arith.constant 80 : index
      %swap3A_337 = tpu.vector_load %arg10[%swap3A_335, %swap3A_336] {strides = array<i32>} : memref<128x128xf32, #tpu.memory_space<vmem>>, vector<1x16xf32>,
      %swap3A_338 = vector.shape_cast %swap3A_337 : vector<1x16xf32> to vector<16xf32>
      %swap3A_339 = vector.shape_cast %scan3A_308#5 : vector<16xf32> to vector<1x16xf32>
      tpu.vector_store %arg10[%swap3A_335, %swap3A_336], %swap3A_339 {strides = array<i32>} : memref<128x128xf32, #tpu.memory_space<vmem>>, vector<1x16xf32>,
      %swap3A_340 = arith.index_cast %add3A_287 : i32 to index
      %swap3A_341 = arith.constant 96 : index
      %swap3A_342 = tpu.vector_load %arg10[%swap3A_340, %swap3A_341] {strides = array<i32>} : memref<128x128xf32, #tpu.memory_space<vmem>>, vector<1x16xf32>,
      %swap3A_343 = vector.shape_cast %swap3A_342 : vector<1x16xf32> to vector<16xf32>
      %swap3A_344 = vector.shape_cast %scan3A_308#6 : vector<16xf32> to vector<1x16xf32>
      tpu.vector_store %arg10[%swap3A_340, %swap3A_341], %swap3A_344 {strides = array<i32>} : memref<128x128xf32, #tpu.memory_space<vmem>>, vector<1x16xf32>,
      %swap3A_345 = arith.index_cast %add3A_287 : i32 to index
      %swap3A_346 = arith.constant 112 : index
      %swap3A_347 = tpu.vector_load %arg10[%swap3A_345, %swap3A_346] {strides = array<i32>} : memref<128x128xf32, #tpu.memory_space<vmem>>, vector<1x16xf32>,
      %swap3A_348 = vector.shape_cast %swap3A_347 : vector<1x16xf32> to vector<16xf32>
      %swap3A_349 = vector.shape_cast %scan3A_308#7 : vector<16xf32> to vector<1x16xf32>
      tpu.vector_store %arg10[%swap3A_345, %swap3A_346], %swap3A_349 {strides = array<i32>} : memref<128x128xf32, #tpu.memory_space<vmem>>, vector<1x16xf32>,
      %add3A_350 = arith.constant 3 : i32
      %add3A_351 = arith.addi %mul3A_71, %add3A_350 : i32
      %add3A_352 = arith.constant 4 : i32
      %add3A_353 = arith.addi %add3A_351, %add3A_352 : i32
      %sub3A_354 = arith.constant 1 : i32
      %sub3A_355 = arith.subi %add3A_353, %sub3A_354 : i32
      %lt3A_356 = arith.constant 128 : i32
      %lt3A_357 = arith.cmpi slt, %sub3A_355, %lt3A_356 : i32
      %convert_element_type3A_358 = arith.extui %lt3A_357 : i1 to i32
      %cond3A_359 = arith.constant 0 : i32
      %cond3A_360 = arith.cmpi ne, %convert_element_type3A_358, %cond3A_359 : i32
      scf.if %cond3A_360 {
        %add3A_445 = arith.constant 3 : i32
        %add3A_446 = arith.addi %mul3A_71, %add3A_445 : i32
        %add3A_447 = arith.constant 4 : i32
        %add3A_448 = arith.addi %add3A_446, %add3A_447 : i32
        %sub3A_449 = arith.constant 1 : i32
        %sub3A_450 = arith.subi %add3A_448, %sub3A_449 : i32
        %mul3A_451 = arith.constant 2 : i32
        %mul3A_452 = arith.muli %mul3A_451, %sub3A_450 : i32
        %dma_start3A_453 = arith.constant 0 : i32
        %dma_start3A_454 = arith.constant 0 : i32
        %dma_start3A_455 = tpu.memref_slice %arg8[%dma_start3A_453, %dma_start3A_454] : memref<200x64xi32, #tpu.memory_space<vmem>> -> memref<96x64xi32, #tpu.memory_space<vmem>>
        %dma_start3A_456 = arith.constant 0 : i32
        %dma_start3A_457 = tpu.memref_slice %arg5[%mul3A_452, %dma_start3A_456] : memref<256x128xi32, #tpu.memory_space<vmem>> -> memref<1x96xi32, #tpu.memory_space<vmem>>
        %dma_start3A_458 = tpu.memref_squeeze %dma_start3A_457 : memref<1x96xi32, #tpu.memory_space<vmem>> -> memref<96xi32, #tpu.memory_space<vmem>>
        %dma_start3A_459 = arith.constant 0 : i32
        %dma_start3A_460 = arith.constant 0 : i32
        %dma_start3A_461 = tpu.memref_slice %arg2[%dma_start3A_459, %dma_start3A_460] : memref<100000x64xi32, #tpu.memory_space<hbm>> -> memref<100000x64xi32, #tpu.memory_space<hbm>>
        tpu.enqueue_indirect_dma source(%dma_start3A_461 : memref<100000x64xi32, #tpu.memory_space<hbm>>) target(%dma_start3A_455 : memref<96x64xi32, #tpu.memory_space<vmem>>) offsets(%dma_start3A_458 : memref<96xi32, #tpu.memory_space<vmem>>) semaphore(%arg13 : memref<!tpu.dma_semaphore, #tpu.memory_space<semaphore_mem>>)
        %mul3A_462 = arith.constant 2 : i32
        %mul3A_463 = arith.muli %mul3A_462, %sub3A_450 : i32
        %add3A_464 = arith.constant 1 : i32
        %add3A_465 = arith.addi %mul3A_463, %add3A_464 : i32
        %dma_start3A_466 = arith.constant 96 : i32
        %dma_start3A_467 = arith.constant 0 : i32
        %dma_start3A_468 = tpu.memref_slice %arg8[%dma_start3A_466, %dma_start3A_467] : memref<200x64xi32, #tpu.memory_space<vmem>> -> memref<104x64xi32, #tpu.memory_space<vmem>>
        %dma_start3A_469 = arith.constant 0 : i32
        %dma_start3A_470 = tpu.memref_slice %arg5[%add3A_465, %dma_start3A_469] : memref<256x128xi32, #tpu.memory_space<vmem>> -> memref<1x104xi32, #tpu.memory_space<vmem>>
        %dma_start3A_471 = tpu.memref_squeeze %dma_start3A_470 : memref<1x104xi32, #tpu.memory_space<vmem>> -> memref<104xi32, #tpu.memory_space<vmem>>
        %dma_start3A_472 = arith.constant 0 : i32
        %dma_start3A_473 = arith.constant 0 : i32
        %dma_start3A_474 = tpu.memref_slice %arg2[%dma_start3A_472, %dma_start3A_473] : memref<100000x64xi32, #tpu.memory_space<hbm>> -> memref<100000x64xi32, #tpu.memory_space<hbm>>
        tpu.enqueue_indirect_dma source(%dma_start3A_474 : memref<100000x64xi32, #tpu.memory_space<hbm>>) target(%dma_start3A_468 : memref<104x64xi32, #tpu.memory_space<vmem>>) offsets(%dma_start3A_471 : memref<104xi32, #tpu.memory_space<vmem>>) semaphore(%arg13 : memref<!tpu.dma_semaphore, #tpu.memory_space<semaphore_mem>>)
      } else {
      }
      %dma_wait3A_361 = arith.constant 0 : i32
      %dma_wait3A_362 = arith.constant 0 : i32
      %dma_wait3A_363 = arith.constant 0 : i32
      %dma_wait3A_364 = tpu.memref_slice %arg9[%dma_wait3A_362, %dma_wait3A_363] : memref<200x64xi32, #tpu.memory_space<vmem>> -> memref<96x64xi32, #tpu.memory_space<vmem>>
      %dma_wait3A_365 = arith.constant 0 : i32
      %dma_wait3A_366 = tpu.memref_slice %arg5[%dma_wait3A_361, %dma_wait3A_365] : memref<256x128xi32, #tpu.memory_space<vmem>> -> memref<1x96xi32, #tpu.memory_space<vmem>>
      %dma_wait3A_367 = tpu.memref_squeeze %dma_wait3A_366 : memref<1x96xi32, #tpu.memory_space<vmem>> -> memref<96xi32, #tpu.memory_space<vmem>>
      %dma_wait3A_368 = arith.constant 0 : i32
      %dma_wait3A_369 = arith.constant 0 : i32
      %dma_wait3A_370 = tpu.memref_slice %arg2[%dma_wait3A_368, %dma_wait3A_369] : memref<100000x64xi32, #tpu.memory_space<hbm>> -> memref<100000x64xi32, #tpu.memory_space<hbm>>
      tpu.wait_indirect_dma semaphore(%arg14 : memref<!tpu.dma_semaphore, #tpu.memory_space<semaphore_mem>>) src(%dma_wait3A_370 : memref<100000x64xi32, #tpu.memory_space<hbm>>) dst(%dma_wait3A_364 : memref<96x64xi32, #tpu.memory_space<vmem>>)
      %dma_wait3A_371 = arith.constant 0 : i32
      %dma_wait3A_372 = arith.constant 96 : i32
      %dma_wait3A_373 = arith.constant 0 : i32
      %dma_wait3A_374 = tpu.memref_slice %arg9[%dma_wait3A_372, %dma_wait3A_373] : memref<200x64xi32, #tpu.memory_space<vmem>> -> memref<104x64xi32, #tpu.memory_space<vmem>>
      %dma_wait3A_375 = arith.constant 0 : i32
      %dma_wait3A_376 = tpu.memref_slice %arg5[%dma_wait3A_371, %dma_wait3A_375] : memref<256x128xi32, #tpu.memory_space<vmem>> -> memref<1x104xi32, #tpu.memory_space<vmem>>
      %dma_wait3A_377 = tpu.memref_squeeze %dma_wait3A_376 : memref<1x104xi32, #tpu.memory_space<vmem>> -> memref<104xi32, #tpu.memory_space<vmem>>
      %dma_wait3A_378 = arith.constant 0 : i32
      %dma_wait3A_379 = arith.constant 0 : i32
      %dma_wait3A_380 = tpu.memref_slice %arg2[%dma_wait3A_378, %dma_wait3A_379] : memref<100000x64xi32, #tpu.memory_space<hbm>> -> memref<100000x64xi32, #tpu.memory_space<hbm>>
      tpu.wait_indirect_dma semaphore(%arg14 : memref<!tpu.dma_semaphore, #tpu.memory_space<semaphore_mem>>) src(%dma_wait3A_380 : memref<100000x64xi32, #tpu.memory_space<hbm>>) dst(%dma_wait3A_374 : memref<104x64xi32, #tpu.memory_space<vmem>>)
      %add3A_381 = arith.constant 3 : i32
      %add3A_382 = arith.addi %mul3A_71, %add3A_381 : i32
      %broadcast_in_dim3A_383 = arith.constant 0.000000e+00 : f32
      %broadcast_in_dim3A_384 = vector.broadcast %broadcast_in_dim3A_383 : f32 to vector<16xf32>
      %broadcast_in_dim3A_385 = arith.constant 0.000000e+00 : f32
      %broadcast_in_dim3A_386 = vector.broadcast %broadcast_in_dim3A_385 : f32 to vector<16xf32>
      %broadcast_in_dim3A_387 = arith.constant 0.000000e+00 : f32
      %broadcast_in_dim3A_388 = vector.broadcast %broadcast_in_dim3A_387 : f32 to vector<16xf32>
      %broadcast_in_dim3A_389 = arith.constant 0.000000e+00 : f32
      %broadcast_in_dim3A_390 = vector.broadcast %broadcast_in_dim3A_389 : f32 to vector<16xf32>
      %broadcast_in_dim3A_391 = arith.constant 0.000000e+00 : f32
      %broadcast_in_dim3A_392 = vector.broadcast %broadcast_in_dim3A_391 : f32 to vector<16xf32>
      %broadcast_in_dim3A_393 = arith.constant 0.000000e+00 : f32
      %broadcast_in_dim3A_394 = vector.broadcast %broadcast_in_dim3A_393 : f32 to vector<16xf32>
      %broadcast_in_dim3A_395 = arith.constant 0.000000e+00 : f32
      %broadcast_in_dim3A_396 = vector.broadcast %broadcast_in_dim3A_395 : f32 to vector<16xf32>
      %broadcast_in_dim3A_397 = arith.constant 0.000000e+00 : f32
      %broadcast_in_dim3A_398 = vector.broadcast %broadcast_in_dim3A_397 : f32 to vector<16xf32>
      %scan3A_399 = arith.constant 0 : i32
      %scan3A_400 = arith.constant 50 : i32
      %scan3A_401 = arith.addi %scan3A_399, %scan3A_400 : i32
      %scan3A_402 = arith.constant 1 : i32
      %scan3A_403:8 = scf.for %scan3A_445 = %scan3A_399 to %scan3A_401 step %scan3A_402 iter_args(%scan3A_446 = %broadcast_in_dim3A_384, %scan3A_447 = %broadcast_in_dim3A_386, %scan3A_448 = %broadcast_in_dim3A_388, %scan3A_449 = %broadcast_in_dim3A_390, %scan3A_450 = %broadcast_in_dim3A_392, %scan3A_451 = %broadcast_in_dim3A_394, %scan3A_452 = %broadcast_in_dim3A_396, %scan3A_453 = %broadcast_in_dim3A_398) -> (vector<16xf32>, vector<16xf32>, vector<16xf32>, vector<16xf32>, vector<16xf32>, vector<16xf32>, vector<16xf32>, vector<16xf32>)  : i32 {
        %mul3A_454 = arith.constant 4 : i32
        %mul3A_455 = arith.muli %mul3A_454, %scan3A_445 : i32
        %add3A_456 = arith.constant 0 : i32
        %add3A_457 = arith.addi %mul3A_455, %add3A_456 : i32
        %get3A = arith.index_cast %add3A_457 : i32 to index
        %get3A_458 = arith.constant 0 : index
        %get3A_459 = tpu.vector_load %arg9[%get3A, %get3A_458] {strides = array<i32>} : memref<200x64xi32, #tpu.memory_space<vmem>>, vector<1x16xi32>,
        %get3A_460 = vector.shape_cast %get3A_459 : vector<1x16xi32> to vector<16xi32>
        %shift_left3A = arith.constant 16 : i32
        %shift_left3A_461 = vector.broadcast %shift_left3A : i32 to vector<16xi32>
        %shift_left3A_462 = arith.shli %get3A_460, %shift_left3A_461 : vector<16xi32>
        %bitcast_convert_type3A = tpu.bitcast %shift_left3A_462 : vector<16xi32> -> vector<16xf32>
        %and3A = arith.constant -65536 : i32
        %and3A_463 = vector.broadcast %and3A : i32 to vector<16xi32>
        %and3A_464 = arith.andi %get3A_460, %and3A_463 : vector<16xi32>
        %bitcast_convert_type3A_465 = tpu.bitcast %and3A_464 : vector<16xi32> -> vector<16xf32>
        %add3A_466 = arith.addf %scan3A_446, %bitcast_convert_type3A : vector<16xf32>
        %add3A_467 = arith.addf %scan3A_450, %bitcast_convert_type3A_465 : vector<16xf32>
        %get3A_468 = arith.index_cast %add3A_457 : i32 to index
        %get3A_469 = arith.constant 16 : index
        %get3A_470 = tpu.vector_load %arg9[%get3A_468, %get3A_469] {strides = array<i32>} : memref<200x64xi32, #tpu.memory_space<vmem>>, vector<1x16xi32>,
        %get3A_471 = vector.shape_cast %get3A_470 : vector<1x16xi32> to vector<16xi32>
        %shift_left3A_472 = arith.constant 16 : i32
        %shift_left3A_473 = vector.broadcast %shift_left3A_472 : i32 to vector<16xi32>
        %shift_left3A_474 = arith.shli %get3A_471, %shift_left3A_473 : vector<16xi32>
        %bitcast_convert_type3A_475 = tpu.bitcast %shift_left3A_474 : vector<16xi32> -> vector<16xf32>
        %and3A_476 = arith.constant -65536 : i32
        %and3A_477 = vector.broadcast %and3A_476 : i32 to vector<16xi32>
        %and3A_478 = arith.andi %get3A_471, %and3A_477 : vector<16xi32>
        %bitcast_convert_type3A_479 = tpu.bitcast %and3A_478 : vector<16xi32> -> vector<16xf32>
        %add3A_480 = arith.addf %scan3A_447, %bitcast_convert_type3A_475 : vector<16xf32>
        %add3A_481 = arith.addf %scan3A_451, %bitcast_convert_type3A_479 : vector<16xf32>
        %get3A_482 = arith.index_cast %add3A_457 : i32 to index
        %get3A_483 = arith.constant 32 : index
        %get3A_484 = tpu.vector_load %arg9[%get3A_482, %get3A_483] {strides = array<i32>} : memref<200x64xi32, #tpu.memory_space<vmem>>, vector<1x16xi32>,
        %get3A_485 = vector.shape_cast %get3A_484 : vector<1x16xi32> to vector<16xi32>
        %shift_left3A_486 = arith.constant 16 : i32
        %shift_left3A_487 = vector.broadcast %shift_left3A_486 : i32 to vector<16xi32>
        %shift_left3A_488 = arith.shli %get3A_485, %shift_left3A_487 : vector<16xi32>
        %bitcast_convert_type3A_489 = tpu.bitcast %shift_left3A_488 : vector<16xi32> -> vector<16xf32>
        %and3A_490 = arith.constant -65536 : i32
        %and3A_491 = vector.broadcast %and3A_490 : i32 to vector<16xi32>
        %and3A_492 = arith.andi %get3A_485, %and3A_491 : vector<16xi32>
        %bitcast_convert_type3A_493 = tpu.bitcast %and3A_492 : vector<16xi32> -> vector<16xf32>
        %add3A_494 = arith.addf %scan3A_448, %bitcast_convert_type3A_489 : vector<16xf32>
        %add3A_495 = arith.addf %scan3A_452, %bitcast_convert_type3A_493 : vector<16xf32>
        %get3A_496 = arith.index_cast %add3A_457 : i32 to index
        %get3A_497 = arith.constant 48 : index
        %get3A_498 = tpu.vector_load %arg9[%get3A_496, %get3A_497] {strides = array<i32>} : memref<200x64xi32, #tpu.memory_space<vmem>>, vector<1x16xi32>,
        %get3A_499 = vector.shape_cast %get3A_498 : vector<1x16xi32> to vector<16xi32>
        %shift_left3A_500 = arith.constant 16 : i32
        %shift_left3A_501 = vector.broadcast %shift_left3A_500 : i32 to vector<16xi32>
        %shift_left3A_502 = arith.shli %get3A_499, %shift_left3A_501 : vector<16xi32>
        %bitcast_convert_type3A_503 = tpu.bitcast %shift_left3A_502 : vector<16xi32> -> vector<16xf32>
        %and3A_504 = arith.constant -65536 : i32
        %and3A_505 = vector.broadcast %and3A_504 : i32 to vector<16xi32>
        %and3A_506 = arith.andi %get3A_499, %and3A_505 : vector<16xi32>
        %bitcast_convert_type3A_507 = tpu.bitcast %and3A_506 : vector<16xi32> -> vector<16xf32>
        %add3A_508 = arith.addf %scan3A_449, %bitcast_convert_type3A_503 : vector<16xf32>
        %add3A_509 = arith.addf %scan3A_453, %bitcast_convert_type3A_507 : vector<16xf32>
        %mul3A_510 = arith.constant 4 : i32
        %mul3A_511 = arith.muli %mul3A_510, %scan3A_445 : i32
        %add3A_512 = arith.constant 1 : i32
        %add3A_513 = arith.addi %mul3A_511, %add3A_512 : i32
        %get3A_514 = arith.index_cast %add3A_513 : i32 to index
        %get3A_515 = arith.constant 0 : index
        %get3A_516 = tpu.vector_load %arg9[%get3A_514, %get3A_515] {strides = array<i32>} : memref<200x64xi32, #tpu.memory_space<vmem>>, vector<1x16xi32>,
        %get3A_517 = vector.shape_cast %get3A_516 : vector<1x16xi32> to vector<16xi32>
        %shift_left3A_518 = arith.constant 16 : i32
        %shift_left3A_519 = vector.broadcast %shift_left3A_518 : i32 to vector<16xi32>
        %shift_left3A_520 = arith.shli %get3A_517, %shift_left3A_519 : vector<16xi32>
        %bitcast_convert_type3A_521 = tpu.bitcast %shift_left3A_520 : vector<16xi32> -> vector<16xf32>
        %and3A_522 = arith.constant -65536 : i32
        %and3A_523 = vector.broadcast %and3A_522 : i32 to vector<16xi32>
        %and3A_524 = arith.andi %get3A_517, %and3A_523 : vector<16xi32>
        %bitcast_convert_type3A_525 = tpu.bitcast %and3A_524 : vector<16xi32> -> vector<16xf32>
        %add3A_526 = arith.addf %add3A_466, %bitcast_convert_type3A_521 : vector<16xf32>
        %add3A_527 = arith.addf %add3A_467, %bitcast_convert_type3A_525 : vector<16xf32>
        %get3A_528 = arith.index_cast %add3A_513 : i32 to index
        %get3A_529 = arith.constant 16 : index
        %get3A_530 = tpu.vector_load %arg9[%get3A_528, %get3A_529] {strides = array<i32>} : memref<200x64xi32, #tpu.memory_space<vmem>>, vector<1x16xi32>,
        %get3A_531 = vector.shape_cast %get3A_530 : vector<1x16xi32> to vector<16xi32>
        %shift_left3A_532 = arith.constant 16 : i32
        %shift_left3A_533 = vector.broadcast %shift_left3A_532 : i32 to vector<16xi32>
        %shift_left3A_534 = arith.shli %get3A_531, %shift_left3A_533 : vector<16xi32>
        %bitcast_convert_type3A_535 = tpu.bitcast %shift_left3A_534 : vector<16xi32> -> vector<16xf32>
        %and3A_536 = arith.constant -65536 : i32
        %and3A_537 = vector.broadcast %and3A_536 : i32 to vector<16xi32>
        %and3A_538 = arith.andi %get3A_531, %and3A_537 : vector<16xi32>
        %bitcast_convert_type3A_539 = tpu.bitcast %and3A_538 : vector<16xi32> -> vector<16xf32>
        %add3A_540 = arith.addf %add3A_480, %bitcast_convert_type3A_535 : vector<16xf32>
        %add3A_541 = arith.addf %add3A_481, %bitcast_convert_type3A_539 : vector<16xf32>
        %get3A_542 = arith.index_cast %add3A_513 : i32 to index
        %get3A_543 = arith.constant 32 : index
        %get3A_544 = tpu.vector_load %arg9[%get3A_542, %get3A_543] {strides = array<i32>} : memref<200x64xi32, #tpu.memory_space<vmem>>, vector<1x16xi32>,
        %get3A_545 = vector.shape_cast %get3A_544 : vector<1x16xi32> to vector<16xi32>
        %shift_left3A_546 = arith.constant 16 : i32
        %shift_left3A_547 = vector.broadcast %shift_left3A_546 : i32 to vector<16xi32>
        %shift_left3A_548 = arith.shli %get3A_545, %shift_left3A_547 : vector<16xi32>
        %bitcast_convert_type3A_549 = tpu.bitcast %shift_left3A_548 : vector<16xi32> -> vector<16xf32>
        %and3A_550 = arith.constant -65536 : i32
        %and3A_551 = vector.broadcast %and3A_550 : i32 to vector<16xi32>
        %and3A_552 = arith.andi %get3A_545, %and3A_551 : vector<16xi32>
        %bitcast_convert_type3A_553 = tpu.bitcast %and3A_552 : vector<16xi32> -> vector<16xf32>
        %add3A_554 = arith.addf %add3A_494, %bitcast_convert_type3A_549 : vector<16xf32>
        %add3A_555 = arith.addf %add3A_495, %bitcast_convert_type3A_553 : vector<16xf32>
        %get3A_556 = arith.index_cast %add3A_513 : i32 to index
        %get3A_557 = arith.constant 48 : index
        %get3A_558 = tpu.vector_load %arg9[%get3A_556, %get3A_557] {strides = array<i32>} : memref<200x64xi32, #tpu.memory_space<vmem>>, vector<1x16xi32>,
        %get3A_559 = vector.shape_cast %get3A_558 : vector<1x16xi32> to vector<16xi32>
        %shift_left3A_560 = arith.constant 16 : i32
        %shift_left3A_561 = vector.broadcast %shift_left3A_560 : i32 to vector<16xi32>
        %shift_left3A_562 = arith.shli %get3A_559, %shift_left3A_561 : vector<16xi32>
        %bitcast_convert_type3A_563 = tpu.bitcast %shift_left3A_562 : vector<16xi32> -> vector<16xf32>
        %and3A_564 = arith.constant -65536 : i32
        %and3A_565 = vector.broadcast %and3A_564 : i32 to vector<16xi32>
        %and3A_566 = arith.andi %get3A_559, %and3A_565 : vector<16xi32>
        %bitcast_convert_type3A_567 = tpu.bitcast %and3A_566 : vector<16xi32> -> vector<16xf32>
        %add3A_568 = arith.addf %add3A_508, %bitcast_convert_type3A_563 : vector<16xf32>
        %add3A_569 = arith.addf %add3A_509, %bitcast_convert_type3A_567 : vector<16xf32>
        %mul3A_570 = arith.constant 4 : i32
        %mul3A_571 = arith.muli %mul3A_570, %scan3A_445 : i32
        %add3A_572 = arith.constant 2 : i32
        %add3A_573 = arith.addi %mul3A_571, %add3A_572 : i32
        %get3A_574 = arith.index_cast %add3A_573 : i32 to index
        %get3A_575 = arith.constant 0 : index
        %get3A_576 = tpu.vector_load %arg9[%get3A_574, %get3A_575] {strides = array<i32>} : memref<200x64xi32, #tpu.memory_space<vmem>>, vector<1x16xi32>,
        %get3A_577 = vector.shape_cast %get3A_576 : vector<1x16xi32> to vector<16xi32>
        %shift_left3A_578 = arith.constant 16 : i32
        %shift_left3A_579 = vector.broadcast %shift_left3A_578 : i32 to vector<16xi32>
        %shift_left3A_580 = arith.shli %get3A_577, %shift_left3A_579 : vector<16xi32>
        %bitcast_convert_type3A_581 = tpu.bitcast %shift_left3A_580 : vector<16xi32> -> vector<16xf32>
        %and3A_582 = arith.constant -65536 : i32
        %and3A_583 = vector.broadcast %and3A_582 : i32 to vector<16xi32>
        %and3A_584 = arith.andi %get3A_577, %and3A_583 : vector<16xi32>
        %bitcast_convert_type3A_585 = tpu.bitcast %and3A_584 : vector<16xi32> -> vector<16xf32>
        %add3A_586 = arith.addf %add3A_526, %bitcast_convert_type3A_581 : vector<16xf32>
        %add3A_587 = arith.addf %add3A_527, %bitcast_convert_type3A_585 : vector<16xf32>
        %get3A_588 = arith.index_cast %add3A_573 : i32 to index
        %get3A_589 = arith.constant 16 : index
        %get3A_590 = tpu.vector_load %arg9[%get3A_588, %get3A_589] {strides = array<i32>} : memref<200x64xi32, #tpu.memory_space<vmem>>, vector<1x16xi32>,
        %get3A_591 = vector.shape_cast %get3A_590 : vector<1x16xi32> to vector<16xi32>
        %shift_left3A_592 = arith.constant 16 : i32
        %shift_left3A_593 = vector.broadcast %shift_left3A_592 : i32 to vector<16xi32>
        %shift_left3A_594 = arith.shli %get3A_591, %shift_left3A_593 : vector<16xi32>
        %bitcast_convert_type3A_595 = tpu.bitcast %shift_left3A_594 : vector<16xi32> -> vector<16xf32>
        %and3A_596 = arith.constant -65536 : i32
        %and3A_597 = vector.broadcast %and3A_596 : i32 to vector<16xi32>
        %and3A_598 = arith.andi %get3A_591, %and3A_597 : vector<16xi32>
        %bitcast_convert_type3A_599 = tpu.bitcast %and3A_598 : vector<16xi32> -> vector<16xf32>
        %add3A_600 = arith.addf %add3A_540, %bitcast_convert_type3A_595 : vector<16xf32>
        %add3A_601 = arith.addf %add3A_541, %bitcast_convert_type3A_599 : vector<16xf32>
        %get3A_602 = arith.index_cast %add3A_573 : i32 to index
        %get3A_603 = arith.constant 32 : index
        %get3A_604 = tpu.vector_load %arg9[%get3A_602, %get3A_603] {strides = array<i32>} : memref<200x64xi32, #tpu.memory_space<vmem>>, vector<1x16xi32>,
        %get3A_605 = vector.shape_cast %get3A_604 : vector<1x16xi32> to vector<16xi32>
        %shift_left3A_606 = arith.constant 16 : i32
        %shift_left3A_607 = vector.broadcast %shift_left3A_606 : i32 to vector<16xi32>
        %shift_left3A_608 = arith.shli %get3A_605, %shift_left3A_607 : vector<16xi32>
        %bitcast_convert_type3A_609 = tpu.bitcast %shift_left3A_608 : vector<16xi32> -> vector<16xf32>
        %and3A_610 = arith.constant -65536 : i32
        %and3A_611 = vector.broadcast %and3A_610 : i32 to vector<16xi32>
        %and3A_612 = arith.andi %get3A_605, %and3A_611 : vector<16xi32>
        %bitcast_convert_type3A_613 = tpu.bitcast %and3A_612 : vector<16xi32> -> vector<16xf32>
        %add3A_614 = arith.addf %add3A_554, %bitcast_convert_type3A_609 : vector<16xf32>
        %add3A_615 = arith.addf %add3A_555, %bitcast_convert_type3A_613 : vector<16xf32>
        %get3A_616 = arith.index_cast %add3A_573 : i32 to index
        %get3A_617 = arith.constant 48 : index
        %get3A_618 = tpu.vector_load %arg9[%get3A_616, %get3A_617] {strides = array<i32>} : memref<200x64xi32, #tpu.memory_space<vmem>>, vector<1x16xi32>,
        %get3A_619 = vector.shape_cast %get3A_618 : vector<1x16xi32> to vector<16xi32>
        %shift_left3A_620 = arith.constant 16 : i32
        %shift_left3A_621 = vector.broadcast %shift_left3A_620 : i32 to vector<16xi32>
        %shift_left3A_622 = arith.shli %get3A_619, %shift_left3A_621 : vector<16xi32>
        %bitcast_convert_type3A_623 = tpu.bitcast %shift_left3A_622 : vector<16xi32> -> vector<16xf32>
        %and3A_624 = arith.constant -65536 : i32
        %and3A_625 = vector.broadcast %and3A_624 : i32 to vector<16xi32>
        %and3A_626 = arith.andi %get3A_619, %and3A_625 : vector<16xi32>
        %bitcast_convert_type3A_627 = tpu.bitcast %and3A_626 : vector<16xi32> -> vector<16xf32>
        %add3A_628 = arith.addf %add3A_568, %bitcast_convert_type3A_623 : vector<16xf32>
        %add3A_629 = arith.addf %add3A_569, %bitcast_convert_type3A_627 : vector<16xf32>
        %mul3A_630 = arith.constant 4 : i32
        %mul3A_631 = arith.muli %mul3A_630, %scan3A_445 : i32
        %add3A_632 = arith.constant 3 : i32
        %add3A_633 = arith.addi %mul3A_631, %add3A_632 : i32
        %get3A_634 = arith.index_cast %add3A_633 : i32 to index
        %get3A_635 = arith.constant 0 : index
        %get3A_636 = tpu.vector_load %arg9[%get3A_634, %get3A_635] {strides = array<i32>} : memref<200x64xi32, #tpu.memory_space<vmem>>, vector<1x16xi32>,
        %get3A_637 = vector.shape_cast %get3A_636 : vector<1x16xi32> to vector<16xi32>
        %shift_left3A_638 = arith.constant 16 : i32
        %shift_left3A_639 = vector.broadcast %shift_left3A_638 : i32 to vector<16xi32>
        %shift_left3A_640 = arith.shli %get3A_637, %shift_left3A_639 : vector<16xi32>
        %bitcast_convert_type3A_641 = tpu.bitcast %shift_left3A_640 : vector<16xi32> -> vector<16xf32>
        %and3A_642 = arith.constant -65536 : i32
        %and3A_643 = vector.broadcast %and3A_642 : i32 to vector<16xi32>
        %and3A_644 = arith.andi %get3A_637, %and3A_643 : vector<16xi32>
        %bitcast_convert_type3A_645 = tpu.bitcast %and3A_644 : vector<16xi32> -> vector<16xf32>
        %add3A_646 = arith.addf %add3A_586, %bitcast_convert_type3A_641 : vector<16xf32>
        %add3A_647 = arith.addf %add3A_587, %bitcast_convert_type3A_645 : vector<16xf32>
        %get3A_648 = arith.index_cast %add3A_633 : i32 to index
        %get3A_649 = arith.constant 16 : index
        %get3A_650 = tpu.vector_load %arg9[%get3A_648, %get3A_649] {strides = array<i32>} : memref<200x64xi32, #tpu.memory_space<vmem>>, vector<1x16xi32>,
        %get3A_651 = vector.shape_cast %get3A_650 : vector<1x16xi32> to vector<16xi32>
        %shift_left3A_652 = arith.constant 16 : i32
        %shift_left3A_653 = vector.broadcast %shift_left3A_652 : i32 to vector<16xi32>
        %shift_left3A_654 = arith.shli %get3A_651, %shift_left3A_653 : vector<16xi32>
        %bitcast_convert_type3A_655 = tpu.bitcast %shift_left3A_654 : vector<16xi32> -> vector<16xf32>
        %and3A_656 = arith.constant -65536 : i32
        %and3A_657 = vector.broadcast %and3A_656 : i32 to vector<16xi32>
        %and3A_658 = arith.andi %get3A_651, %and3A_657 : vector<16xi32>
        %bitcast_convert_type3A_659 = tpu.bitcast %and3A_658 : vector<16xi32> -> vector<16xf32>
        %add3A_660 = arith.addf %add3A_600, %bitcast_convert_type3A_655 : vector<16xf32>
        %add3A_661 = arith.addf %add3A_601, %bitcast_convert_type3A_659 : vector<16xf32>
        %get3A_662 = arith.index_cast %add3A_633 : i32 to index
        %get3A_663 = arith.constant 32 : index
        %get3A_664 = tpu.vector_load %arg9[%get3A_662, %get3A_663] {strides = array<i32>} : memref<200x64xi32, #tpu.memory_space<vmem>>, vector<1x16xi32>,
        %get3A_665 = vector.shape_cast %get3A_664 : vector<1x16xi32> to vector<16xi32>
        %shift_left3A_666 = arith.constant 16 : i32
        %shift_left3A_667 = vector.broadcast %shift_left3A_666 : i32 to vector<16xi32>
        %shift_left3A_668 = arith.shli %get3A_665, %shift_left3A_667 : vector<16xi32>
        %bitcast_convert_type3A_669 = tpu.bitcast %shift_left3A_668 : vector<16xi32> -> vector<16xf32>
        %and3A_670 = arith.constant -65536 : i32
        %and3A_671 = vector.broadcast %and3A_670 : i32 to vector<16xi32>
        %and3A_672 = arith.andi %get3A_665, %and3A_671 : vector<16xi32>
        %bitcast_convert_type3A_673 = tpu.bitcast %and3A_672 : vector<16xi32> -> vector<16xf32>
        %add3A_674 = arith.addf %add3A_614, %bitcast_convert_type3A_669 : vector<16xf32>
        %add3A_675 = arith.addf %add3A_615, %bitcast_convert_type3A_673 : vector<16xf32>
        %get3A_676 = arith.index_cast %add3A_633 : i32 to index
        %get3A_677 = arith.constant 48 : index
        %get3A_678 = tpu.vector_load %arg9[%get3A_676, %get3A_677] {strides = array<i32>} : memref<200x64xi32, #tpu.memory_space<vmem>>, vector<1x16xi32>,
        %get3A_679 = vector.shape_cast %get3A_678 : vector<1x16xi32> to vector<16xi32>
        %shift_left3A_680 = arith.constant 16 : i32
        %shift_left3A_681 = vector.broadcast %shift_left3A_680 : i32 to vector<16xi32>
        %shift_left3A_682 = arith.shli %get3A_679, %shift_left3A_681 : vector<16xi32>
        %bitcast_convert_type3A_683 = tpu.bitcast %shift_left3A_682 : vector<16xi32> -> vector<16xf32>
        %and3A_684 = arith.constant -65536 : i32
        %and3A_685 = vector.broadcast %and3A_684 : i32 to vector<16xi32>
        %and3A_686 = arith.andi %get3A_679, %and3A_685 : vector<16xi32>
        %bitcast_convert_type3A_687 = tpu.bitcast %and3A_686 : vector<16xi32> -> vector<16xf32>
        %add3A_688 = arith.addf %add3A_628, %bitcast_convert_type3A_683 : vector<16xf32>
        %add3A_689 = arith.addf %add3A_629, %bitcast_convert_type3A_687 : vector<16xf32>
        scf.yield %add3A_646, %add3A_660, %add3A_674, %add3A_688, %add3A_647, %add3A_661, %add3A_675, %add3A_689 : vector<16xf32>, vector<16xf32>, vector<16xf32>, vector<16xf32>, vector<16xf32>, vector<16xf32>, vector<16xf32>, vector<16xf32>
      }
      %scan3A_404 = arith.constant 50 : i32
      %swap3A_405 = arith.index_cast %add3A_382 : i32 to index
      %swap3A_406 = arith.constant 0 : index
      %swap3A_407 = tpu.vector_load %arg10[%swap3A_405, %swap3A_406] {strides = array<i32>} : memref<128x128xf32, #tpu.memory_space<vmem>>, vector<1x16xf32>,
      %swap3A_408 = vector.shape_cast %swap3A_407 : vector<1x16xf32> to vector<16xf32>
      %swap3A_409 = vector.shape_cast %scan3A_403#0 : vector<16xf32> to vector<1x16xf32>
      tpu.vector_store %arg10[%swap3A_405, %swap3A_406], %swap3A_409 {strides = array<i32>} : memref<128x128xf32, #tpu.memory_space<vmem>>, vector<1x16xf32>,
      %swap3A_410 = arith.index_cast %add3A_382 : i32 to index
      %swap3A_411 = arith.constant 16 : index
      %swap3A_412 = tpu.vector_load %arg10[%swap3A_410, %swap3A_411] {strides = array<i32>} : memref<128x128xf32, #tpu.memory_space<vmem>>, vector<1x16xf32>,
      %swap3A_413 = vector.shape_cast %swap3A_412 : vector<1x16xf32> to vector<16xf32>
      %swap3A_414 = vector.shape_cast %scan3A_403#1 : vector<16xf32> to vector<1x16xf32>
      tpu.vector_store %arg10[%swap3A_410, %swap3A_411], %swap3A_414 {strides = array<i32>} : memref<128x128xf32, #tpu.memory_space<vmem>>, vector<1x16xf32>,
      %swap3A_415 = arith.index_cast %add3A_382 : i32 to index
      %swap3A_416 = arith.constant 32 : index
      %swap3A_417 = tpu.vector_load %arg10[%swap3A_415, %swap3A_416] {strides = array<i32>} : memref<128x128xf32, #tpu.memory_space<vmem>>, vector<1x16xf32>,
      %swap3A_418 = vector.shape_cast %swap3A_417 : vector<1x16xf32> to vector<16xf32>
      %swap3A_419 = vector.shape_cast %scan3A_403#2 : vector<16xf32> to vector<1x16xf32>
      tpu.vector_store %arg10[%swap3A_415, %swap3A_416], %swap3A_419 {strides = array<i32>} : memref<128x128xf32, #tpu.memory_space<vmem>>, vector<1x16xf32>,
      %swap3A_420 = arith.index_cast %add3A_382 : i32 to index
      %swap3A_421 = arith.constant 48 : index
      %swap3A_422 = tpu.vector_load %arg10[%swap3A_420, %swap3A_421] {strides = array<i32>} : memref<128x128xf32, #tpu.memory_space<vmem>>, vector<1x16xf32>,
      %swap3A_423 = vector.shape_cast %swap3A_422 : vector<1x16xf32> to vector<16xf32>
      %swap3A_424 = vector.shape_cast %scan3A_403#3 : vector<16xf32> to vector<1x16xf32>
      tpu.vector_store %arg10[%swap3A_420, %swap3A_421], %swap3A_424 {strides = array<i32>} : memref<128x128xf32, #tpu.memory_space<vmem>>, vector<1x16xf32>,
      %swap3A_425 = arith.index_cast %add3A_382 : i32 to index
      %swap3A_426 = arith.constant 64 : index
      %swap3A_427 = tpu.vector_load %arg10[%swap3A_425, %swap3A_426] {strides = array<i32>} : memref<128x128xf32, #tpu.memory_space<vmem>>, vector<1x16xf32>,
      %swap3A_428 = vector.shape_cast %swap3A_427 : vector<1x16xf32> to vector<16xf32>
      %swap3A_429 = vector.shape_cast %scan3A_403#4 : vector<16xf32> to vector<1x16xf32>
      tpu.vector_store %arg10[%swap3A_425, %swap3A_426], %swap3A_429 {strides = array<i32>} : memref<128x128xf32, #tpu.memory_space<vmem>>, vector<1x16xf32>,
      %swap3A_430 = arith.index_cast %add3A_382 : i32 to index
      %swap3A_431 = arith.constant 80 : index
      %swap3A_432 = tpu.vector_load %arg10[%swap3A_430, %swap3A_431] {strides = array<i32>} : memref<128x128xf32, #tpu.memory_space<vmem>>, vector<1x16xf32>,
      %swap3A_433 = vector.shape_cast %swap3A_432 : vector<1x16xf32> to vector<16xf32>
      %swap3A_434 = vector.shape_cast %scan3A_403#5 : vector<16xf32> to vector<1x16xf32>
      tpu.vector_store %arg10[%swap3A_430, %swap3A_431], %swap3A_434 {strides = array<i32>} : memref<128x128xf32, #tpu.memory_space<vmem>>, vector<1x16xf32>,
      %swap3A_435 = arith.index_cast %add3A_382 : i32 to index
      %swap3A_436 = arith.constant 96 : index
      %swap3A_437 = tpu.vector_load %arg10[%swap3A_435, %swap3A_436] {strides = array<i32>} : memref<128x128xf32, #tpu.memory_space<vmem>>, vector<1x16xf32>,
      %swap3A_438 = vector.shape_cast %swap3A_437 : vector<1x16xf32> to vector<16xf32>
      %swap3A_439 = vector.shape_cast %scan3A_403#6 : vector<16xf32> to vector<1x16xf32>
      tpu.vector_store %arg10[%swap3A_435, %swap3A_436], %swap3A_439 {strides = array<i32>} : memref<128x128xf32, #tpu.memory_space<vmem>>, vector<1x16xf32>,
      %swap3A_440 = arith.index_cast %add3A_382 : i32 to index
      %swap3A_441 = arith.constant 112 : index
      %swap3A_442 = tpu.vector_load %arg10[%swap3A_440, %swap3A_441] {strides = array<i32>} : memref<128x128xf32, #tpu.memory_space<vmem>>, vector<1x16xf32>,
      %swap3A_443 = vector.shape_cast %swap3A_442 : vector<1x16xf32> to vector<16xf32>
      %swap3A_444 = vector.shape_cast %scan3A_403#7 : vector<16xf32> to vector<1x16xf32>
      tpu.vector_store %arg10[%swap3A_440, %swap3A_441], %swap3A_444 {strides = array<i32>} : memref<128x128xf32, #tpu.memory_space<vmem>>, vector<1x16xf32>,
    }
    %scan3A_66 = arith.constant 32 : i32
    %mul3A_67 = arith.constant 128 : i32
    %mul3A_68 = arith.muli %add3A, %mul3A_67 : i32
    "tpu.region"() ({
      %run_scoped3A = tpu.sem_alloc : memref<!tpu.dma_semaphore, #tpu.memory_space<semaphore_mem>>
      %dma_start3A_69 = arith.constant 0 : i32
      %dma_start3A_70 = tpu.memref_slice %arg4[%mul3A_68, %dma_start3A_69] : memref<4096x128xf32, #tpu.memory_space<hbm>> -> memref<128x128xf32, #tpu.memory_space<hbm>>
      %dma_start3A_71 = arith.constant 0 : i32
      %dma_start3A_72 = tpu.memref_slice %arg4[%mul3A_68, %dma_start3A_71] : memref<4096x128xf32, #tpu.memory_space<hbm>> -> memref<128x128xf32, #tpu.memory_space<hbm>>
      tpu.enqueue_dma source(%arg10 : memref<128x128xf32, #tpu.memory_space<vmem>>) target(%dma_start3A_72 : memref<128x128xf32, #tpu.memory_space<hbm>>) target_semaphore(%run_scoped3A : memref<!tpu.dma_semaphore, #tpu.memory_space<semaphore_mem>>)
      %dma_wait3A = arith.constant 0 : i32
      %dma_wait3A_73 = tpu.memref_slice %arg4[%mul3A_68, %dma_wait3A] : memref<4096x128xf32, #tpu.memory_space<hbm>> -> memref<128x128xf32, #tpu.memory_space<hbm>>
      %dma_wait3A_74 = arith.constant 0 : i32
      %dma_wait3A_75 = tpu.memref_slice %arg4[%mul3A_68, %dma_wait3A_74] : memref<4096x128xf32, #tpu.memory_space<hbm>> -> memref<128x128xf32, #tpu.memory_space<hbm>>
      tpu.wait_dma2 semaphore(%run_scoped3A : memref<!tpu.dma_semaphore, #tpu.memory_space<semaphore_mem>>) src(%arg10 : memref<128x128xf32, #tpu.memory_space<vmem>>) dst(%dma_wait3A_75 : memref<128x128xf32, #tpu.memory_space<hbm>>)
      tpu.yield
    }) : () -> ()
    return
  }
}

module attributes {stable_mosaic.version = 14 : i64} {
  func.func @_pack_kernel(%arg0: i32, %arg1: memref<5000x128xf32, #tpu.memory_space<vmem>>, %arg2: memref<5000x128xf32, #tpu.memory_space<vmem>>, %arg3: memref<5000x128xi32, #tpu.memory_space<vmem>>) attributes {dimension_semantics = [#tpu.dimension_semantics<arbitrary>], iteration_bounds = array<i64: 10>, scalar_prefetch = 0 : i64, scratch_operands = 0 : i64, tpu.core_type = #tpu.core_type<tc>, window_params = [{transform_indices = @transform_0, window_bounds = array<i64: 5000, 128>}, {transform_indices = @transform_1, window_bounds = array<i64: 5000, 128>}, {transform_indices = @transform_2, window_bounds = array<i64: 5000, 128>}]} {
    %get3A = arith.constant 0 : index
    %get3A_0 = arith.constant 0 : index
    %get3A_1 = vector.load %arg1[%get3A, %get3A_0] : memref<5000x128xf32, #tpu.memory_space<vmem>>, vector<5000x128xf32>
    %convert_element_type3A = arith.truncf %get3A_1 : vector<5000x128xf32> to vector<5000x128xbf16>
    %bitcast_convert_type3A = tpu.bitcast %convert_element_type3A : vector<5000x128xbf16> -> vector<5000x128xi16>
    %convert_element_type3A_2 = arith.extui %bitcast_convert_type3A : vector<5000x128xi16> to vector<5000x128xi32>
    %slice3A = vector.extract_strided_slice %convert_element_type3A_2 {offsets = [0, 0], sizes = [5000, 64], strides = [1, 1]} : vector<5000x128xi32> to vector<5000x64xi32>
    %slice3A_3 = vector.extract_strided_slice %convert_element_type3A_2 {offsets = [0, 64], sizes = [5000, 64], strides = [1, 1]} : vector<5000x128xi32> to vector<5000x64xi32>
    %shift_left3A = arith.constant 16 : i32
    %shift_left3A_4 = vector.broadcast %shift_left3A : i32 to vector<5000x64xi32>
    %shift_left3A_5 = arith.shli %slice3A_3, %shift_left3A_4 : vector<5000x64xi32>
    %or3A = arith.ori %slice3A, %shift_left3A_5 : vector<5000x64xi32>
    %get3A_6 = arith.constant 0 : index
    %get3A_7 = arith.constant 0 : index
    %get3A_8 = vector.load %arg2[%get3A_6, %get3A_7] : memref<5000x128xf32, #tpu.memory_space<vmem>>, vector<5000x128xf32>
    %convert_element_type3A_9 = arith.truncf %get3A_8 : vector<5000x128xf32> to vector<5000x128xbf16>
    %bitcast_convert_type3A_10 = tpu.bitcast %convert_element_type3A_9 : vector<5000x128xbf16> -> vector<5000x128xi16>
    %convert_element_type3A_11 = arith.extui %bitcast_convert_type3A_10 : vector<5000x128xi16> to vector<5000x128xi32>
    %slice3A_12 = vector.extract_strided_slice %convert_element_type3A_11 {offsets = [0, 0], sizes = [5000, 64], strides = [1, 1]} : vector<5000x128xi32> to vector<5000x64xi32>
    %slice3A_13 = vector.extract_strided_slice %convert_element_type3A_11 {offsets = [0, 64], sizes = [5000, 64], strides = [1, 1]} : vector<5000x128xi32> to vector<5000x64xi32>
    %shift_left3A_14 = arith.constant 16 : i32
    %shift_left3A_15 = vector.broadcast %shift_left3A_14 : i32 to vector<5000x64xi32>
    %shift_left3A_16 = arith.shli %slice3A_13, %shift_left3A_15 : vector<5000x64xi32>
    %or3A_17 = arith.ori %slice3A_12, %shift_left3A_16 : vector<5000x64xi32>
    %concatenate3A = tpu.concatenate %or3A, %or3A_17 in 1 : vector<5000x64xi32>, vector<5000x64xi32> -> vector<5000x128xi32>
    %swap3A = arith.constant 0 : index
    %swap3A_18 = arith.constant 0 : index
    %swap3A_19 = vector.load %arg3[%swap3A, %swap3A_18] : memref<5000x128xi32, #tpu.memory_space<vmem>>, vector<5000x128xi32>
    tpu.vector_store %arg3[%swap3A, %swap3A_18], %concatenate3A {strides = array<i32>} : memref<5000x128xi32, #tpu.memory_space<vmem>>, vector<5000x128xi32>,
    return
  }
  func.func @transform_0(%arg0: i32) -> (i32, i32) {
    %c0_i32 = arith.constant 0 : i32
    %c0_i32_0 = arith.constant 0 : i32
    return %arg0, %c0_i32 : i32, i32
  }
  func.func @transform_1(%arg0: i32) -> (i32, i32) {
    %add3A = arith.constant 10 : i32
    %add3A_0 = arith.addi %arg0, %add3A : i32
    %c0_i32 = arith.constant 0 : i32
    %c0_i32_1 = arith.constant 0 : i32
    return %add3A_0, %c0_i32 : i32, i32
  }
  func.func @transform_2(%arg0: i32) -> (i32, i32) {
    %c0_i32 = arith.constant 0 : i32
    %c0_i32_0 = arith.constant 0 : i32
    return %arg0, %c0_i32 : i32, i32
  }
}

module attributes {stable_mosaic.version = 14 : i64} {
  func.func @_mlp_kernel(%arg0: memref<4096x128xf32, #tpu.memory_space<vmem>>, %arg1: memref<256x128xf32, #tpu.memory_space<vmem>>, %arg2: memref<1x256xf32, #tpu.memory_space<vmem>>, %arg3: memref<1x256xf32, #tpu.memory_space<vmem>>, %arg4: memref<1x256xf32, #tpu.memory_space<vmem>>, %arg5: memref<16x256xf32, #tpu.memory_space<vmem>>, %arg6: memref<1x16xf32, #tpu.memory_space<vmem>>, %arg7: memref<4096x16xf32, #tpu.memory_space<vmem>>) attributes {dimension_semantics = [], scalar_prefetch = 0 : i64, scratch_operands = 0 : i64, tpu.core_type = #tpu.core_type<tc>} {
    %get3A = arith.constant 0 : index
    %get3A_0 = arith.constant 0 : index
    %get3A_1 = vector.load %arg0[%get3A, %get3A_0] : memref<4096x128xf32, #tpu.memory_space<vmem>>, vector<4096x128xf32>
    %mul3A = arith.constant 5.000000e-03 : f32
    %mul3A_2 = vector.broadcast %mul3A : f32 to vector<4096x128xf32>
    %mul3A_3 = arith.mulf %get3A_1, %mul3A_2 : vector<4096x128xf32>
    %get3A_4 = arith.constant 0 : index
    %get3A_5 = arith.constant 0 : index
    %get3A_6 = vector.load %arg1[%get3A_4, %get3A_5] : memref<256x128xf32, #tpu.memory_space<vmem>>, vector<256x128xf32>
    %dot_general3A = arith.constant dense<0.000000e+00> : vector<4096x256xf32>
    %dot_general3A_7 = tpu.matmul %mul3A_3, %get3A_6, %dot_general3A {dimension_numbers = #tpu.dot_dimension_numbers<[1], [1], [0], [0], [0, 0, 1, 0], [], []>, transpose_lhs_hint = false} : vector<4096x128xf32>, vector<256x128xf32>, vector<4096x256xf32> -> vector<4096x256xf32>
    %get3A_8 = arith.constant 0 : index
    %get3A_9 = arith.constant 0 : index
    %get3A_10 = vector.load %arg2[%get3A_8, %get3A_9] : memref<1x256xf32, #tpu.memory_space<vmem>>, vector<1x256xf32>
    %add3A = vector.broadcast %get3A_10 : vector<1x256xf32> to vector<4096x256xf32>
    %add3A_11 = arith.addf %dot_general3A_7, %add3A : vector<4096x256xf32>
    %reduce_sum3A = arith.constant dense<0.000000e+00> : vector<256xf32>
    %reduce_sum3A_12 = vector.multi_reduction <add>, %add3A_11, %reduce_sum3A [0] : vector<4096x256xf32> to vector<256xf32>
    %broadcast_in_dim3A = vector.shape_cast %reduce_sum3A_12 : vector<256xf32> to vector<1x256xf32>
    %div3A = arith.constant 4.096000e+03 : f32
    %div3A_13 = vector.broadcast %div3A : f32 to vector<1x256xf32>
    %div3A_14 = arith.divf %broadcast_in_dim3A, %div3A_13 : vector<1x256xf32>
    %sub3A = vector.broadcast %div3A_14 : vector<1x256xf32> to vector<4096x256xf32>
    %sub3A_15 = arith.subf %add3A_11, %sub3A : vector<4096x256xf32>
    %mul3A_16 = arith.mulf %sub3A_15, %sub3A_15 : vector<4096x256xf32>
    %reduce_sum3A_17 = arith.constant dense<0.000000e+00> : vector<256xf32>
    %reduce_sum3A_18 = vector.multi_reduction <add>, %mul3A_16, %reduce_sum3A_17 [0] : vector<4096x256xf32> to vector<256xf32>
    %broadcast_in_dim3A_19 = vector.shape_cast %reduce_sum3A_18 : vector<256xf32> to vector<1x256xf32>
    %div3A_20 = arith.constant 4.096000e+03 : f32
    %div3A_21 = vector.broadcast %div3A_20 : f32 to vector<1x256xf32>
    %div3A_22 = arith.divf %broadcast_in_dim3A_19, %div3A_21 : vector<1x256xf32>
    %add3A_23 = arith.constant 9.99999974E-6 : f32
    %add3A_24 = vector.broadcast %add3A_23 : f32 to vector<1x256xf32>
    %add3A_25 = arith.addf %div3A_22, %add3A_24 : vector<1x256xf32>
    %rsqrt3A = math.rsqrt %add3A_25 : vector<1x256xf32>
    %mul3A_26 = vector.broadcast %rsqrt3A : vector<1x256xf32> to vector<4096x256xf32>
    %mul3A_27 = arith.mulf %sub3A_15, %mul3A_26 : vector<4096x256xf32>
    %get3A_28 = arith.constant 0 : index
    %get3A_29 = arith.constant 0 : index
    %get3A_30 = vector.load %arg3[%get3A_28, %get3A_29] : memref<1x256xf32, #tpu.memory_space<vmem>>, vector<1x256xf32>
    %mul3A_31 = vector.broadcast %get3A_30 : vector<1x256xf32> to vector<4096x256xf32>
    %mul3A_32 = arith.mulf %mul3A_27, %mul3A_31 : vector<4096x256xf32>
    %get3A_33 = arith.constant 0 : index
    %get3A_34 = arith.constant 0 : index
    %get3A_35 = vector.load %arg4[%get3A_33, %get3A_34] : memref<1x256xf32, #tpu.memory_space<vmem>>, vector<1x256xf32>
    %add3A_36 = vector.broadcast %get3A_35 : vector<1x256xf32> to vector<4096x256xf32>
    %add3A_37 = arith.addf %mul3A_32, %add3A_36 : vector<4096x256xf32>
    %max3A = arith.constant 0.000000e+00 : f32
    %max3A_38 = vector.broadcast %max3A : f32 to vector<4096x256xf32>
    %max3A_39 = arith.maximumf %add3A_37, %max3A_38 : vector<4096x256xf32>
    %get3A_40 = arith.constant 0 : index
    %get3A_41 = arith.constant 0 : index
    %get3A_42 = vector.load %arg5[%get3A_40, %get3A_41] : memref<16x256xf32, #tpu.memory_space<vmem>>, vector<16x256xf32>
    %dot_general3A_43 = arith.constant dense<0.000000e+00> : vector<4096x16xf32>
    %dot_general3A_44 = tpu.matmul %max3A_39, %get3A_42, %dot_general3A_43 {dimension_numbers = #tpu.dot_dimension_numbers<[1], [1], [0], [0], [0, 0, 1, 0], [], []>, transpose_lhs_hint = false} : vector<4096x256xf32>, vector<16x256xf32>, vector<4096x16xf32> -> vector<4096x16xf32>
    %get3A_45 = arith.constant 0 : index
    %get3A_46 = arith.constant 0 : index
    %get3A_47 = vector.load %arg6[%get3A_45, %get3A_46] : memref<1x16xf32, #tpu.memory_space<vmem>>, vector<1x16xf32>
    %add3A_48 = vector.broadcast %get3A_47 : vector<1x16xf32> to vector<4096x16xf32>
    %add3A_49 = arith.addf %dot_general3A_44, %add3A_48 : vector<4096x16xf32>
    %swap3A = arith.constant 0 : index
    %swap3A_50 = arith.constant 0 : index
    %swap3A_51 = vector.load %arg7[%swap3A, %swap3A_50] : memref<4096x16xf32, #tpu.memory_space<vmem>>, vector<4096x16xf32>
    tpu.vector_store %arg7[%swap3A, %swap3A_50], %add3A_49 {strides = array<i32>} : memref<4096x16xf32, #tpu.memory_space<vmem>>, vector<4096x16xf32>,
    return
  }
}

</mosaic_0001>

<sc_bundles>
// kernel: kernel.5.cloned.1.call-start
scs
__scs_entry_jumppad:
0x0: {  	(pc) =	sbr.rel $0x88, $3  }
0x1: {  	(tag) =	ssettag $0x0;
	lr =	simm.s32 $0x1  }
0x2: {  	[smem:$0x3F99] =	sst lr;
	_ =	strace $0xD0000000  }
0x3: {  	_ = 	snop  }
0x4: {  	_ = 	snop  }
0x5: {  	_ = 	snop  }
0x6: {  	_ = 	snop  }
0x7: {  	_ = 	snop  }
__scs_overlays_trampoline_lowered:
0x8: {  	[smem:$0x3FA8] =	sst s0  }
0x9: {  	[smem:$0x3FA9] =	sst s1  }
0xa: {  	[smem:$0x3FAA] =	sst s2  }
0xb: {  	[smem:$0x3FAB] =	sst s3  }
0xc: {  	[smem:$0x3FAC] =	sst s4  }
0xd: {  	[smem:$0x3FAD] =	sst s5  }
0xe: {  	[smem:$0x3FAE] =	sst s6  }
0xf: {  	[smem:$0x3FAF] =	sst s7  }
0x10: {  	[smem:$0x3FB0] =	sst s8  }
0x11: {  	[smem:$0x3FB1] =	sst s9;
	s0 =	simm.s32 @!p0 $0x0  }
0x12: {  	s1 =	sld [smem:$0x3F97];
	s0 =	simm.s32 @p0 $0x1  }
0x13: {  	[smem:$0x3FB2] =	sst s0;
	s0 =	simm.s32 @!p1 $0x0  }
0x14: {  	s2 =	sld [smem:$0x3F96];
	s0 =	simm.s32 @p1 $0x1  }
0x15: {  	[smem:$0x3FB3] =	sst s0;
	s0 =	simm.s32 @!p2 $0x0  }
0x16: {  	s3 =	sld [smem:$0x3FDB];
	s0 =	simm.s32 @p2 $0x1  }
0x17: {  	s4 =	simm.s32 $0x1BF5;
	[smem:$0x3FB5] =	sst s0  }
0x18: {  	s0 =	sld [smem:$0x3F98];
	_ =	swait.ge [sflag:s4], $0x0  }
0x19: {  	s7 =	sld [smem:$0x3F99]  }
0x1a: {  	s8 =	sadd.s32 $0xFFFFE003, lr  }
0x1b: {  	s9 =	sadd.s32 $0xFFFFFEF7, lr;
	s5 =	simm.s32 $0xFFFFFFFF;
	p2 =	slt.u32 s8, $0xFFFFF086  }
0x1c: {  	p1 =	slt.u32 s9, $0xF7A;
	s5 =	simm.s32 @!p2 $0x0  }
0x1d: {  	s5 =	simm.s32 @p1 $0x1;
	p0 =	seq.s32 s7, s2  }
0x1e: {  	s7 =	smul.u32 @!p0 $0xF7A, s2;
	p2 =	seq.s32 @!p0 s5, $0x0  }
0x1f: {  	s9 =	smul.u32 $0xF7A, s1;
	s8 =	simm.s32 @!p0 $0x1BF5;
	p2 =	por !p2, p0  }
0x20: {  	[sflag:s8] =	ssyncset.s32 @!p0 $0xFFFFF086;
	s6 =	sadd.s32 @!p0 s3, s7;
	s7 =	simm.s32 @!p0 $0x108  }
0x21: {  	s3 =	sadd.s32 s3, s9;
	s6 =	sadd.s32 @!p0 $0x88, s6;
	s7 =	simm.s32 @p2 $0x1082  }
0x22: {  	[simem:s7], [sflag:s8] =	dma.local @!p0 [hbm:s6], $0xF7A  }
0x23: {  	s9 =	sor.u32 $0xD0000000, s2;
	s6 =	simm.s32 $0x108;
	_ =	swait.ge @!p0 [sflag:s8], $0x0  }
0x24: {  	s3 =	sadd.s32 $0x88, s3;
	s6 =	simm.s32 @!p1 $0x1082;
	[sflag:s4] =	ssyncset.s32 $0xFFFFF086  }
0x25: {  	[simem:s6], [sflag:s4] =	dma.local [hbm:s3], $0xF7A  }
0x26: {  	[smem:$0x3F99] =	sst s1;
	(tag) =	ssettag s2;
	_ =	strace s9  }
0x27: {  	s1 =	sld [smem:$0x3FA9]  }
0x28: {  	s2 =	sld [smem:$0x3FAA]  }
0x29: {  	s4 =	sld [smem:$0x3FAC]  }
0x2a: {  	p0 =	seq.s32 s5, $0x0;
	s5 =	sld [smem:$0x3FAD]  }
0x2b: {  	s6 =	sld [smem:$0x3FAE]  }
0x2c: {  	s7 =	sld [smem:$0x3FAF]  }
0x2d: {  	s3 =	simm.s32 $0x108;
	s8 =	sld [smem:$0x3FB0]  }
0x2e: {  	s3 =	simm.s32 @!p0 $0x1082;
	s9 =	sld [smem:$0x3FB1]  }
0x2f: {  	lr =	sadd.s32 s0, s3;
	s0 =	sld [smem:$0x3FA8]  }
0x30: {  	s3 =	sld [smem:$0x3FAB]  }
0x31: {  	[smem:$0x3FB4] =	sst s10  }
0x32: {  	s10 =	sld [smem:$0x3FB2];
	_ =	sdelay $0x3  }
0x33: {  	p0 =	seq.s32 s10, $0x1;
	s10 =	sld [smem:$0x3FB4];
	_ =	sdelay $0x3  }
0x34: {  	[smem:$0x3FB4] =	sst s10  }
0x35: {  	s10 =	sld [smem:$0x3FB3];
	_ =	sdelay $0x3  }
0x36: {  	p1 =	seq.s32 s10, $0x1;
	s10 =	sld [smem:$0x3FB4];
	_ =	sdelay $0x3  }
0x37: {  	[smem:$0x3FB4] =	sst s10  }
0x38: {  	s10 =	sld [smem:$0x3FB5]  }
0x39: {  	_ = 	snop;
	(pc) =	sbr.ind lr, $3  }
0x3a: {  	_ = 	snop  }
0x3b: {  	_ = 	snop  }
0x3c: {  	p2 =	seq.s32 s10, $0x1;
	s10 =	sld [smem:$0x3FB4]  }
0x3d: {  	_ =	shalt  }
0x3e: {  	_ =	shalt  }
0x3f: {  	_ =	shalt  }
0x40: {  	_ =	shalt  }
0x41: {  	_ =	shalt  }
0x42: {  	_ =	shalt  }
0x43: {  	_ =	shalt  }
0x44: {  	_ =	shalt  }
0x45: {  	_ =	shalt  }
0x46: {  	_ =	shalt  }
0x47: {  	_ =	shalt  }
0x48: {  	_ =	shalt  }
0x49: {  	_ =	shalt  }
0x4a: {  	_ =	shalt  }
0x4b: {  	_ =	shalt  }
0x4c: {  	_ =	shalt  }
0x4d: {  	_ =	shalt  }
0x4e: {  	_ =	shalt  }
0x4f: {  	_ =	shalt  }
0x50: {  	_ =	shalt  }
0x51: {  	_ =	shalt  }
0x52: {  	_ =	shalt  }
0x53: {  	_ =	shalt  }
0x54: {  	_ =	shalt  }
0x55: {  	_ =	shalt  }
0x56: {  	_ =	shalt  }
0x57: {  	_ =	shalt  }
0x58: {  	_ =	shalt  }
0x59: {  	_ =	shalt  }
0x5a: {  	_ =	shalt  }
0x5b: {  	_ =	shalt  }
0x5c: {  	_ =	shalt  }
0x5d: {  	_ =	shalt  }
0x5e: {  	_ =	shalt  }
0x5f: {  	_ =	shalt  }
0x60: {  	_ =	shalt  }
0x61: {  	_ =	shalt  }
0x62: {  	_ =	shalt  }
0x63: {  	_ =	shalt  }
0x64: {  	_ =	shalt  }
0x65: {  	_ =	shalt  }
0x66: {  	_ =	shalt  }
0x67: {  	_ =	shalt  }
0x68: {  	_ =	shalt  }
0x69: {  	_ =	shalt  }
0x6a: {  	_ =	shalt  }
0x6b: {  	_ =	shalt  }
0x6c: {  	_ =	shalt  }
0x6d: {  	_ =	shalt  }
0x6e: {  	_ =	shalt  }
0x6f: {  	_ =	shalt  }
0x70: {  	_ =	shalt  }
0x71: {  	_ =	shalt  }
0x72: {  	_ =	shalt  }
0x73: {  	_ =	shalt  }
0x74: {  	_ =	shalt  }
0x75: {  	_ =	shalt  }
0x76: {  	_ =	shalt  }
0x77: {  	_ =	shalt  }
0x78: {  	_ =	shalt  }
0x79: {  	_ =	shalt  }
0x7a: {  	_ =	shalt  }
0x7b: {  	_ =	shalt  }
0x7c: {  	_ =	shalt  }
0x7d: {  	_ =	shalt  }
0x7e: {  	_ =	shalt  }
0x7f: {  	_ =	shalt  }
0x80: {  	_ =	shalt  }
0x81: {  	_ =	shalt  }
0x82: {  	_ =	shalt  }
0x83: {  	_ =	shalt  }
0x84: {  	_ =	shalt  }
0x85: {  	_ =	shalt  }
0x86: {  	_ =	shalt  }
0x87: {  	_ =	shalt  }
.Lfunc_end0:
.L_simem_size_0:
called_computation_lowered:
.L_overlay_start_0:
0x88: {  	s2 =	sld [smem:$0x3FD9]  }
0x89: {  	s3 =	sld [smem:$0x3FFE];
	_ =	sdelay $0x1  }
0x8a: {  	s1 =	srdreg.scid  }
0x8b: {  	s0 =	sand.u32 $0x1, s1  }
0x8c: {  	s16 =	sshll.u32 s0, $0xA;
	s2 =	sadd.s32 s3, s2  }
0x8d: {  	s2 =	sadd.s32 s2, s16  }
0x8e: {  	[smem:$0x3FC0] =	sst s2  }
0x8f: {  	_ = 	snop  }
0x90: {  	(tm) =	ssettm $0x1  }
0x91: {  	s17 =	sld [smem:$0x3FFB];
	_ =	sdelay $0x3  }
0x92: {  	_ =	strace s17  }
0x93: {  	s2 =	sld [smem:$0x3FFC];
	_ =	sdelay $0x3  }
0x94: {  	_ =	strace s2  }
0x95: {  	s2 =	sld [smem:$0x3FFD];
	_ =	sdelay $0x3  }
0x96: {  	_ =	strace s2  }
0x97: {  	_ =	strace $0x8FFFFFFF  }
0x98: {  	s18 =	sld [smem:$0x3FDB];
	_ =	sdelay $0x1  }
0x99: {  	s19 =	simm.s32 $_scs_section_size  }
0x9a: {  	s4 =	simm.s32 $_size__tile_overlayer_lowered;
	s5 =	simm.s32 $_tile_overlayer_lowered  }
0x9b: {  	s22 =	simm.s32 $0x1BFF;
	s21 =	sshll.u32 s5, $0x1;
	s2 =	sadd.s32 s19, s18  }
0x9c: {  	s6 =	simm.s32 $0x0;
	s20 =	sshll.u32 s4, $0x1;
	s4 =	sadd.s32 s21, s2  }
0x9d: {  	[timem:s6], [sflag:s22] =	dma.local [hbm:s4], s20  }
0x9e: {  	_ =	swait.ge [sflag:s22], s20  }
0x9f: {  	s3 =	ssub.s32 $0x0, s20;
	[sflag:s22] =	ssyncset.done $0x0  }
0xa0: {  	[sflag:s22] =	ssyncadd.s32 s3;
	_ =	sdelay $0x1  }
0xa1: {  	s23 =	simm.s32 $0x1B8B  }
0xa2: {  	_ =	swait.ge [sflag:s23], $0x1  }
0xa3: {  	[sflag:s23] =	ssyncset.done $0x0  }
0xa4: {  	s25 =	simm.s32 $0x1B8E;
	s24 =	sld [smem:$0x3FFE];
	[sflag:s23] =	ssyncadd.s32 $0xFFFFFFFF  }
0xa5: {  	s26 =	simm.s32 $execute0_lowered;
	[smem:$0x3FD2] =	sst s25  }
0xa6: {  	s4 =	sshll.u32 s26, $0x1;
	_ =	strace $0x80000046;
	[dreg:$0x1] =	wrdreg $0xFFFFFFFF  }
0xa7: {  	s28 =	simm.s32 $_size_execute0_lowered;
	s2 =	sadd.s32 s2, s4;
	[dreg:$0x0] =	wrdreg $0x0  }
0xa8: {  	s4 =	sshll.u32 s28, $0x1;
	[dreg:$0x2] =	wrdreg s2  }
0xa9: {  	[dreg:$0x3] =	wrdreg s4  }
0xaa: {  	[dreg:$0x4] =	wrdreg $0xC0  }
0xab: {  	_ =	task [dreg:s6], $0x5FFFF  }
0xac: {  	[dreg:$0x1] =	wrdreg $0xFFFFFFFF  }
0xad: {  	[dreg:$0x0] =	wrdreg $0x60  }
0xae: {  	[dreg:$0x2] =	wrdreg s24  }
0xaf: {  	[dreg:$0x3] =	wrdreg $0x9  }
0xb0: {  	_ =	task.clear_ibuf [dreg:s6], $0x4FFFF;
	_ =	strace $0x90000046  }
0xb1: {  	s29 =	simm.s32 $0x9;
	_ =	strace $0x80000048  }
0xb2: {  	_ =	swait.ge [sflag:s29], $0x1  }
0xb3: {  	[sflag:s29] =	ssyncadd.s32 $0xFFFFFFFF  }
0xb4: {  	_ =	strace $0x90000048  }
0xb5: {  	_ =	sfence  }
0xb6: {  	s30 =	sld [smem:$0x0];
	_ =	sdelay $0x2  }
0xb7: {  	s31 =	sshll.u32 s1, $0xD;
	s1 =	sshrl.u32 s1, $0x2  }
0xb8: {  	s3 =	sand.u32 $0x4000, s31;
	s1 =	sadd.s32 s1, s30  }
0xb9: {  	s0 =	sor.u32 s3, s0;
	s1 =	sshll.u32 s1, $0x11  }
0xba: {  	s0 =	sor.u32 s1, s0  }
0xbb: {  	s0 =	sadd.s32 $0x8F2B, s0  }
0xbc: {  	[sflag:s0] =	ssyncadd.remote.s32 $0x1  }
0xbd: {  	_ =	sfence.sel $0xFFFF  }
0xbe: {  	[dreg:$0x0] =	wrdreg $0xFFFFFFFF;
	(pc) =	sbr.abs _section_cstart, $3  }
0xbf: {  	[dreg:$0x1] =	wrdreg $0xFFFFFFFF  }
0xc0: {  	_ =	task.clear_ibuf [dreg:s6], $0x2FFFF;
	_ =	strace $0x9FFFFFFF  }
0xc1: {  	(tm) =	ssettm $0x7FFFFFFF  }
tec
execute0_lowered:
.L_overlay_start_1:
0x0: {  	(tag) =	ssettag $0x1  }
0x1: {  	s0 =	rddreg [dreg:$0x0];
	s2 =	simm.s32 $0x0;
	s1 =	srdreg.scid  }
0x2: {  	s3 =	stileid.u32;
	s7 =	simm.s32 $0x5;
	s8 =	simm.s32 $0x60  }
0x3: {  	s10 =	simm.s32 $0x68;
	s13 =	simm.s32 $0x100;
	s14 =	simm.s32 $0xB200  }
0x4: {  	s15 =	simm.s32 $0x180;
	s16 =	simm.s32 $0xCA00;
	s17 =	simm.s32 $0x200  }
0x5: {  	s18 =	simm.s32 $0xE400;
	s19 =	simm.s32 $0x280;
	s20 =	simm.s32 $0xFC00  }
0x6: {  	s21 =	simm.s32 $0x11600;
	s22 =	simm.s32 $0x12E00;
	s23 =	simm.s32 $0x1  }
0x7: {  	s24 =	simm.s32 $0x2;
	s25 =	simm.s32 $0x3;
	s26 =	simm.s32 $0x4  }
0x8: {  	s28 =	simm.s32 $0x14800;
	s29 =	simm.s32 $0x0;
	[smem:$0x7FF] =	sst s2  }
0x9: {  	s1 =	sand.u32 $0x1, s1;
	s3 =	sshll.u32 s3, $0x1;
	_ =	strace $0x80000047  }
0xa: {  	s4 =	sor.u32 s1, s3;
	s3 =	sadd.s32 $0x21600, s0;
	s1 =	ssub.s32 $0x2, s1  }
0xb: {  	s5 =	sshll.u32 s4, $0xC;
	s4 =	sshll.u32 s4, $0xB;
	s6 =	sshrl.u32 s1, $0x1  }
0xc: {  	s5 =	sadd.s32 s5, s0;
	s0 =	sadd.s32 s4, s0;
	s1 =	ssub.s32 s1, s6  }
0xd: {  	s4 =	sadd.s32 $0x1600, s5;
	s5 =	sadd.s32 $0xE4C00, s0;
	s6 =	smax.u32 s1, $0x1  }
.LBB2_1:
0xe: {  	[tilespmem:s2], [sflag:$0x5] =	stream.linear.gather [hbm4b:s4+s2], $0x8000, $0x38;
	[tilespmem:$0x18800] =	vst v63  }
0xf: {  	_ =	swait.ge [sflag:s7], $0x8000  }
0x10: {  	[sflag:s7] =	ssyncset.done $0x0  }
0x11: {  	s0 =	simm.s32 $0x8000;
	[sflag:s7] =	ssyncadd.s32 $0xFFFF8000  }
0x12: {  	[tilespmem:s0], [sflag:$0x1] =	stream.indirect.gather [hbm4b:s3+s8], $0x40, s2, s8, $0xb8;
	[tilespmem:$0x18800] =	vst v63  }
0x13: {  	s31 =	simm.s32 $0x80;
	s1 =	simm.s32 $0x9800  }
0x14: {  	[tilespmem:s1], [sflag:$0x1] =	stream.indirect.gather [hbm4b:s3+s10], $0x40, s31, s10, $0xb8;
	[tilespmem:$0x18800] =	vst v63  }
0x15: {  	_ = 	snop  }
0x16: {  	[tilespmem:s14], [sflag:$0x2] =	stream.indirect.gather [hbm4b:s3+s8], $0x40, s13, s8, $0xb8;
	[tilespmem:$0x18800] =	vst v63  }
0x17: {  	_ = 	snop  }
0x18: {  	[tilespmem:s16], [sflag:$0x2] =	stream.indirect.gather [hbm4b:s3+s10], $0x40, s15, s10, $0xb8;
	[tilespmem:$0x18800] =	vst v63  }
0x19: {  	_ = 	snop  }
0x1a: {  	[tilespmem:s18], [sflag:$0x3] =	stream.indirect.gather [hbm4b:s3+s8], $0x40, s17, s8, $0xb8;
	[tilespmem:$0x18800] =	vst v63  }
0x1b: {  	s30 =	simm.s32 $0x0  }
0x1c: {  	[tilespmem:s20], [sflag:$0x3] =	stream.indirect.gather [hbm4b:s3+s10], $0x40, s19, s10, $0xb8;
	[tilespmem:$0x18800] =	vst v63  }
.LBB2_2:
0x1d: {  	s31 =	sshllo.u32 s30, $0x2  }
0x1e: {  	s0 =	sshll.u32 s31, $0x8  }
0x1f: {  	s0 =	sand.u32 $0x3FFFFF00, s0  }
0x20: {  	[tilespmem:s21], [sflag:$0x4] =	stream.indirect.gather [hbm4b:s3+s8], $0x40, s0, s8, $0xb8;
	[tilespmem:$0x18800] =	vst v63  }
0x21: {  	s0 =	sor.u32 $0x80, s0  }
0x22: {  	[tilespmem:s22], [sflag:$0x4] =	stream.indirect.gather [hbm4b:s3+s10], $0x40, s0, s10, $0xb8;
	[tilespmem:$0x18800] =	vst v63  }
0x23: {  	_ =	swait.ge [sflag:s23], $0x1800  }
0x24: {  	[sflag:s23] =	ssyncset.done $0x0  }
0x25: {  	[sflag:s23] =	ssyncadd.s32 $0xFFFFE800  }
0x26: {  	_ =	swait.ge [sflag:s23], $0x1A00  }
0x27: {  	[sflag:s23] =	ssyncset.done $0x0  }
0x28: {  	s0 =	simm.s32 $0x0;
	[sflag:s23] =	ssyncadd.s32 $0xFFFFE600  }
0x29: {  	v0 =	vld [tilespmem:s0+$0x80C0]  }
0x2a: {  	v1 =	vld [tilespmem:s0+$0x80D0]  }
0x2b: {  	v4 =	vld [tilespmem:s0+$0x80E0]  }
0x2c: {  	v6 =	vld [tilespmem:s0+$0x8080]  }
0x2d: {  	v9 =	vld [tilespmem:s0+$0x8090]  }
0x2e: {  	v10 =	vld [tilespmem:s0+$0x80A0]  }
0x2f: {  	v11 =	vld [tilespmem:s0+$0x8040]  }
0x30: {  	v16 =	vld [tilespmem:s0+$0x8000]  }
0x31: {  	v5 =	vimm.f32 $0.0e+00;
	v17 =	vld [tilespmem:s0+$0x8010];
	v8 =	vshll.u32 v0, $0x10;
	v3 =	vand.u32 $0xFFFF0000, v0  }
0x32: {  	v7 =	vshll.u32 v1, $0x10;
	v2 =	vand.u32 $0xFFFF0000, v1;
	v1 =	vshll.u32 v4, $0x10  }
0x33: {  	v24 =	vld [tilespmem:s0+$0x8050];
	v13 =	vshll.u32 v6, $0x10;
	v14 =	vand.u32 $0xFFFF0000, v6;
	v0 =	vand.u32 $0xFFFF0000, v4  }
0x34: {  	v15 =	vshll.u32 v9, $0x10;
	v12 =	vand.u32 $0xFFFF0000, v9;
	v6 =	vshll.u32 v10, $0x10  }
0x35: {  	v9 =	vshll.u32 v11, $0x10;
	v11 =	vand.u32 $0xFFFF0000, v11;
	v4 =	vand.u32 $0xFFFF0000, v10  }
0x36: {  	v18 =	vld [tilespmem:s0+$0x8060];
	v10 =	vshll.u32 v16, $0x10;
	v16 =	vand.u32 $0xFFFF0000, v16;
	v19 =	vshll.u32 v17, $0x10  }
0x37: {  	v17 =	vand.u32 $0xFFFF0000, v17;
	v10 =	vadd.f32 v10, v5;
	v16 =	vadd.f32 v16, v5  }
0x38: {  	v23 =	vshll.u32 v24, $0x10;
	v21 =	vadd.f32 v19, v5;
	v22 =	vadd.f32 v17, v5;
	v17 =	vld [tilespmem:s0+$0x8020]  }
0x39: {  	v24 =	vand.u32 $0xFFFF0000, v24;
	v19 =	vadd.f32 v9, v10;
	v20 =	vadd.f32 v11, v16  }
0x3a: {  	s1 =	simm.s32 $0x400;
	v16 =	vld [tilespmem:s0+$0x8030];
	v10 =	vimm.f32 $0.0e+00;
	v11 =	vimm.f32 $0.0e+00;
	v9 =	vimm.f32 $0.0e+00  }
.LBB2_3:
0x3b: {  	p0 =	sne.s32 s1, $0xC400;
	v21 =	vadd.f32 v23, v21;
	v22 =	vadd.f32 v24, v22;
	v23 =	vshll.u32 v18, $0x10  }
0x3c: {  	v18 =	vand.u32 $0xFFFF0000, v18;
	v24 =	vld [tilespmem:s0+$0x8070];
	v13 =	vadd.f32 v13, v19;
	v14 =	vadd.f32 v14, v20  }
0x3d: {  	v19 =	vshll.u32 v17, $0x10;
	v15 =	vadd.f32 v15, v21;
	v12 =	vadd.f32 v12, v22  }
0x3e: {  	s9 =	sshra.s32 s1, $0x2;
	v17 =	vand.u32 $0xFFFF0000, v17;
	v20 =	vld [tilespmem:s0+$0x80B0];
	v21 =	vadd.f32 v8, v13;
	v22 =	vadd.f32 v3, v14  }
0x3f: {  	v3 =	vld [tilespmem:s9+$0x80C0];
	v8 =	vshll.u32 v16, $0x10;
	v25 =	vadd.f32 v7, v15;
	v26 =	vadd.f32 v2, v12  }
0x40: {  	v2 =	vadd.f32 v19, v5;
	v5 =	vadd.f32 v17, v10;
	v7 =	vand.u32 $0xFFFF0000, v16;
	v12 =	vld [tilespmem:s0+$0x80F0];
	s0 =	smov.u32 s9  }
0x41: {  	v8 =	vadd.f32 v8, v11;
	v7 =	vadd.f32 v7, v9;
	v13 =	vld [tilespmem:s0+$0x80D0];
	v9 =	vshll.u32 v24, $0x10  }
0x42: {  	v2 =	vadd.f32 v23, v2;
	v5 =	vadd.f32 v18, v5;
	v10 =	vand.u32 $0xFFFF0000, v24;
	v15 =	vld [tilespmem:s0+$0x80E0]  }
0x43: {  	v8 =	vadd.f32 v9, v8;
	v7 =	vadd.f32 v10, v7;
	v14 =	vld [tilespmem:s0+$0x8080];
	v9 =	vshll.u32 v20, $0x10  }
0x44: {  	v2 =	vadd.f32 v6, v2;
	v4 =	vadd.f32 v4, v5;
	v5 =	vand.u32 $0xFFFF0000, v20;
	v16 =	vld [tilespmem:s0+$0x8090]  }
0x45: {  	v6 =	vadd.f32 v9, v8;
	v7 =	vadd.f32 v5, v7;
	v17 =	vld [tilespmem:s0+$0x80A0];
	v8 =	vshll.u32 v12, $0x10  }
0x46: {  	v5 =	vadd.f32 v1, v2;
	v10 =	vadd.f32 v0, v4;
	v0 =	vand.u32 $0xFFFF0000, v12;
	v18 =	vld [tilespmem:s0+$0x8040]  }
0x47: {  	v11 =	vadd.f32 v8, v6;
	v9 =	vadd.f32 v0, v7;
	v19 =	vld [tilespmem:s0+$0x8000]  }
0x48: {  	v8 =	vshll.u32 v3, $0x10;
	v3 =	vand.u32 $0xFFFF0000, v3;
	v20 =	vld [tilespmem:s0+$0x8010]  }
0x49: {  	v7 =	vshll.u32 v13, $0x10;
	v2 =	vand.u32 $0xFFFF0000, v13;
	v1 =	vshll.u32 v15, $0x10  }
0x4a: {  	v0 =	vand.u32 $0xFFFF0000, v15;
	v13 =	vshll.u32 v14, $0x10;
	v14 =	vand.u32 $0xFFFF0000, v14;
	v24 =	vld [tilespmem:s0+$0x8050]  }
0x4b: {  	v15 =	vshll.u32 v16, $0x10;
	v12 =	vand.u32 $0xFFFF0000, v16;
	v6 =	vshll.u32 v17, $0x10  }
.Ltmp0:
0x4c: {  	v4 =	vand.u32 $0xFFFF0000, v17;
	v27 =	vshll.u32 v18, $0x10;
	v28 =	vand.u32 $0xFFFF0000, v18;
	v18 =	vld [tilespmem:s0+$0x8060];
	(pc) =	sbr.rel @p0 .LBB2_3-.Ltmp0, $4  }
0x4d: {  	v16 =	vshll.u32 v19, $0x10;
	v17 =	vand.u32 $0xFFFF0000, v19;
	v19 =	vshll.u32 v20, $0x10  }
0x4e: {  	v29 =	vadd.f32 v16, v21;
	v30 =	vadd.f32 v17, v22;
	v16 =	vand.u32 $0xFFFF0000, v20;
	v17 =	vld [tilespmem:s0+$0x8020]  }
0x4f: {  	v21 =	vadd.f32 v19, v25;
	v22 =	vadd.f32 v16, v26;
	v23 =	vshll.u32 v24, $0x10  }
0x50: {  	s1 =	sadd.s32 $0x400, s1;
	v19 =	vadd.f32 v27, v29;
	v20 =	vadd.f32 v28, v30;
	v24 =	vand.u32 $0xFFFF0000, v24;
	v16 =	vld [tilespmem:s0+$0x8030]  }
0x51: {  	_ = 	snop  }
0x52: {  	v21 =	vadd.f32 v23, v21;
	v22 =	vadd.f32 v24, v22;
	v23 =	vld [tilespmem:s0+$0x8070];
	v24 =	vshll.u32 v18, $0x10  }
0x53: {  	v13 =	vadd.f32 v13, v19;
	v14 =	vadd.f32 v14, v20;
	v19 =	vshll.u32 v17, $0x10  }
0x54: {  	v20 =	vld [tilespmem:s0+$0x80B0];
	v15 =	vadd.f32 v15, v21;
	v12 =	vadd.f32 v12, v22;
	v17 =	vand.u32 $0xFFFF0000, v17  }
0x55: {  	v5 =	vadd.f32 v19, v5;
	v8 =	vadd.f32 v8, v13;
	v21 =	vshll.u32 v16, $0x10  }
0x56: {  	v18 =	vand.u32 $0xFFFF0000, v18;
	v13 =	vld [tilespmem:s0+$0x80F0];
	v10 =	vadd.f32 v17, v10;
	v11 =	vadd.f32 v21, v11  }
0x57: {  	v7 =	vadd.f32 v7, v15;
	v15 =	vshll.u32 v23, $0x10;
	v5 =	vadd.f32 v24, v5  }
0x58: {  	s12 =	sshll.u32 s30, $0x9;
	v3 =	vadd.f32 v3, v14;
	v16 =	vand.u32 $0xFFFF0000, v16;
	v11 =	vadd.f32 v15, v11  }
0x59: {  	s0 =	sand.u32 $0x3FFFFE00, s12;
	v9 =	vadd.f32 v16, v9;
	v15 =	vshll.u32 v20, $0x10;
	v5 =	vadd.f32 v6, v5  }
0x5a: {  	[tilespmem:s0+$0x14800] =	vst v8;
	v6 =	vadd.f32 v18, v10;
	v10 =	vadd.f32 v15, v11;
	v11 =	vand.u32 $0xFFFF0000, v23  }
0x5b: {  	[tilespmem:s0+$0x14840] =	vst v3;
	v15 =	vshll.u32 v13, $0x10;
	v1 =	vadd.f32 v1, v5;
	v5 =	vadd.f32 v11, v9  }
0x5c: {  	[tilespmem:s0+$0x14810] =	vst v7;
	v4 =	vadd.f32 v4, v6;
	v6 =	vand.u32 $0xFFFF0000, v20;
	v8 =	vadd.f32 v15, v10  }
0x5d: {  	[tilespmem:s0+$0x14820] =	vst v1;
	v1 =	vadd.f32 v2, v12;
	v2 =	vadd.f32 v6, v5  }
0x5e: {  	p0 =	seq.s32 s30, $0x1F;
	v0 =	vadd.f32 v0, v4;
	v4 =	vand.u32 $0xFFFF0000, v13;
	[tilespmem:s0+$0x14830] =	vst v8  }
0x5f: {  	s1 =	sshll.u32 @!p0 s30, $0xA;
	[tilespmem:s0+$0x14850] =	vst v1;
	v2 =	vadd.f32 v4, v2  }
0x60: {  	s1 =	sand.u32 @!p0 $0x3FFFFC00, s1;
	[tilespmem:s0+$0x14860] =	vst v0  }
0x61: {  	s11 =	simm.s32 @!p0 $0x60;
	s9 =	sadd.s32 @!p0 $0x400, s1;
	s12 =	simm.s32 @!p0 $0x8000;
	[tilespmem:s0+$0x14870] =	vst v2  }
0x62: {  	[tilespmem:s12], [sflag:$0x1] =	stream.indirect.gather @!p0 [hbm4b:s3+s11], $0x40, s9, s11, $0xb8;
	[tilespmem:$0x18800] =	vst v63  }
0x63: {  	s9 =	sadd.s32 @!p0 $0x480, s1;
	s11 =	simm.s32 @!p0 $0x68;
	s12 =	simm.s32 @!p0 $0x9800  }
0x64: {  	[tilespmem:s12], [sflag:$0x1] =	stream.indirect.gather @!p0 [hbm4b:s3+s11], $0x40, s9, s11, $0xb8;
	[tilespmem:$0x18800] =	vst v63  }
0x65: {  	_ =	swait.ge [sflag:s24], $0x1800  }
0x66: {  	[sflag:s24] =	ssyncset.done $0x0  }
0x67: {  	[sflag:s24] =	ssyncadd.s32 $0xFFFFE800  }
0x68: {  	_ =	swait.ge [sflag:s24], $0x1A00  }
0x69: {  	[sflag:s24] =	ssyncset.done $0x0  }
0x6a: {  	s9 =	simm.s32 $0x0;
	[sflag:s24] =	ssyncadd.s32 $0xFFFFE600  }
0x6b: {  	v0 =	vld [tilespmem:s9+$0xB2C0]  }
0x6c: {  	v1 =	vld [tilespmem:s9+$0xB2D0]  }
0x6d: {  	v4 =	vld [tilespmem:s9+$0xB2E0]  }
0x6e: {  	v6 =	vld [tilespmem:s9+$0xB280]  }
0x6f: {  	v9 =	vld [tilespmem:s9+$0xB290]  }
0x70: {  	v10 =	vld [tilespmem:s9+$0xB2A0]  }
0x71: {  	v11 =	vld [tilespmem:s9+$0xB240]  }
0x72: {  	v16 =	vld [tilespmem:s9+$0xB200]  }
0x73: {  	v5 =	vimm.f32 $0.0e+00;
	v17 =	vld [tilespmem:s9+$0xB210];
	v8 =	vshll.u32 v0, $0x10;
	v3 =	vand.u32 $0xFFFF0000, v0  }
0x74: {  	v7 =	vshll.u32 v1, $0x10;
	v2 =	vand.u32 $0xFFFF0000, v1;
	v1 =	vshll.u32 v4, $0x10  }
0x75: {  	v24 =	vld [tilespmem:s9+$0xB250];
	v13 =	vshll.u32 v6, $0x10;
	v14 =	vand.u32 $0xFFFF0000, v6;
	v0 =	vand.u32 $0xFFFF0000, v4  }
0x76: {  	v15 =	vshll.u32 v9, $0x10;
	v12 =	vand.u32 $0xFFFF0000, v9;
	v6 =	vshll.u32 v10, $0x10  }
0x77: {  	v9 =	vshll.u32 v11, $0x10;
	v11 =	vand.u32 $0xFFFF0000, v11;
	v4 =	vand.u32 $0xFFFF0000, v10  }
0x78: {  	v18 =	vld [tilespmem:s9+$0xB260];
	v10 =	vshll.u32 v16, $0x10;
	v16 =	vand.u32 $0xFFFF0000, v16;
	v19 =	vshll.u32 v17, $0x10  }
0x79: {  	v17 =	vand.u32 $0xFFFF0000, v17;
	v10 =	vadd.f32 v10, v5;
	v16 =	vadd.f32 v16, v5  }
0x7a: {  	v23 =	vshll.u32 v24, $0x10;
	v21 =	vadd.f32 v19, v5;
	v22 =	vadd.f32 v17, v5;
	v17 =	vld [tilespmem:s9+$0xB220]  }
0x7b: {  	v24 =	vand.u32 $0xFFFF0000, v24;
	v19 =	vadd.f32 v9, v10;
	v20 =	vadd.f32 v11, v16  }
0x7c: {  	s11 =	simm.s32 $0x400;
	v16 =	vld [tilespmem:s9+$0xB230];
	v10 =	vimm.f32 $0.0e+00;
	v11 =	vimm.f32 $0.0e+00;
	v9 =	vimm.f32 $0.0e+00  }
.LBB2_5:
0x7d: {  	p1 =	sne.s32 s11, $0xC400;
	v21 =	vadd.f32 v23, v21;
	v22 =	vadd.f32 v24, v22;
	v23 =	vshll.u32 v18, $0x10  }
0x7e: {  	v18 =	vand.u32 $0xFFFF0000, v18;
	v24 =	vld [tilespmem:s9+$0xB270];
	v13 =	vadd.f32 v13, v19;
	v14 =	vadd.f32 v14, v20  }
0x7f: {  	v19 =	vshll.u32 v17, $0x10;
	v15 =	vadd.f32 v15, v21;
	v12 =	vadd.f32 v12, v22  }
0x80: {  	s12 =	sshra.s32 s11, $0x2;
	v17 =	vand.u32 $0xFFFF0000, v17;
	v20 =	vld [tilespmem:s9+$0xB2B0];
	v21 =	vadd.f32 v8, v13;
	v22 =	vadd.f32 v3, v14  }
0x81: {  	v3 =	vld [tilespmem:s12+$0xB2C0];
	v8 =	vshll.u32 v16, $0x10;
	v25 =	vadd.f32 v7, v15;
	v26 =	vadd.f32 v2, v12  }
0x82: {  	v2 =	vadd.f32 v19, v5;
	v5 =	vadd.f32 v17, v10;
	v7 =	vand.u32 $0xFFFF0000, v16;
	v12 =	vld [tilespmem:s9+$0xB2F0];
	s9 =	smov.u32 s12  }
0x83: {  	v8 =	vadd.f32 v8, v11;
	v7 =	vadd.f32 v7, v9;
	v13 =	vld [tilespmem:s9+$0xB2D0];
	v9 =	vshll.u32 v24, $0x10  }
0x84: {  	v2 =	vadd.f32 v23, v2;
	v5 =	vadd.f32 v18, v5;
	v10 =	vand.u32 $0xFFFF0000, v24;
	v15 =	vld [tilespmem:s9+$0xB2E0]  }
0x85: {  	v8 =	vadd.f32 v9, v8;
	v7 =	vadd.f32 v10, v7;
	v14 =	vld [tilespmem:s9+$0xB280];
	v9 =	vshll.u32 v20, $0x10  }
0x86: {  	v2 =	vadd.f32 v6, v2;
	v4 =	vadd.f32 v4, v5;
	v5 =	vand.u32 $0xFFFF0000, v20;
	v16 =	vld [tilespmem:s9+$0xB290]  }
0x87: {  	v6 =	vadd.f32 v9, v8;
	v7 =	vadd.f32 v5, v7;
	v17 =	vld [tilespmem:s9+$0xB2A0];
	v8 =	vshll.u32 v12, $0x10  }
0x88: {  	v5 =	vadd.f32 v1, v2;
	v10 =	vadd.f32 v0, v4;
	v0 =	vand.u32 $0xFFFF0000, v12;
	v18 =	vld [tilespmem:s9+$0xB240]  }
0x89: {  	v11 =	vadd.f32 v8, v6;
	v9 =	vadd.f32 v0, v7;
	v19 =	vld [tilespmem:s9+$0xB200]  }
0x8a: {  	v8 =	vshll.u32 v3, $0x10;
	v3 =	vand.u32 $0xFFFF0000, v3;
	v20 =	vld [tilespmem:s9+$0xB210]  }
0x8b: {  	v7 =	vshll.u32 v13, $0x10;
	v2 =	vand.u32 $0xFFFF0000, v13;
	v1 =	vshll.u32 v15, $0x10  }
0x8c: {  	v0 =	vand.u32 $0xFFFF0000, v15;
	v13 =	vshll.u32 v14, $0x10;
	v14 =	vand.u32 $0xFFFF0000, v14;
	v24 =	vld [tilespmem:s9+$0xB250]  }
0x8d: {  	v15 =	vshll.u32 v16, $0x10;
	v12 =	vand.u32 $0xFFFF0000, v16;
	v6 =	vshll.u32 v17, $0x10  }
.Ltmp1:
0x8e: {  	v4 =	vand.u32 $0xFFFF0000, v17;
	v27 =	vshll.u32 v18, $0x10;
	v28 =	vand.u32 $0xFFFF0000, v18;
	v18 =	vld [tilespmem:s9+$0xB260];
	(pc) =	sbr.rel @p1 .LBB2_5-.Ltmp1, $4  }
0x8f: {  	v16 =	vshll.u32 v19, $0x10;
	v17 =	vand.u32 $0xFFFF0000, v19;
	v19 =	vshll.u32 v20, $0x10  }
0x90: {  	v29 =	vadd.f32 v16, v21;
	v30 =	vadd.f32 v17, v22;
	v16 =	vand.u32 $0xFFFF0000, v20;
	v17 =	vld [tilespmem:s9+$0xB220]  }
0x91: {  	v21 =	vadd.f32 v19, v25;
	v22 =	vadd.f32 v16, v26;
	v23 =	vshll.u32 v24, $0x10  }
0x92: {  	s11 =	sadd.s32 $0x400, s11;
	v19 =	vadd.f32 v27, v29;
	v20 =	vadd.f32 v28, v30;
	v24 =	vand.u32 $0xFFFF0000, v24;
	v16 =	vld [tilespmem:s9+$0xB230]  }
0x93: {  	_ = 	snop  }
0x94: {  	v21 =	vadd.f32 v23, v21;
	v22 =	vadd.f32 v24, v22;
	v23 =	vld [tilespmem:s9+$0xB270];
	v24 =	vshll.u32 v18, $0x10  }
0x95: {  	v13 =	vadd.f32 v13, v19;
	v14 =	vadd.f32 v14, v20;
	v19 =	vshll.u32 v17, $0x10  }
0x96: {  	v20 =	vld [tilespmem:s9+$0xB2B0];
	v15 =	vadd.f32 v15, v21;
	v12 =	vadd.f32 v12, v22;
	v17 =	vand.u32 $0xFFFF0000, v17  }
0x97: {  	v5 =	vadd.f32 v19, v5;
	v8 =	vadd.f32 v8, v13;
	v21 =	vshll.u32 v16, $0x10  }
0x98: {  	v18 =	vand.u32 $0xFFFF0000, v18;
	v13 =	vld [tilespmem:s9+$0xB2F0];
	v10 =	vadd.f32 v17, v10;
	v11 =	vadd.f32 v21, v11  }
0x99: {  	v7 =	vadd.f32 v7, v15;
	v15 =	vshll.u32 v23, $0x10;
	v5 =	vadd.f32 v24, v5  }
0x9a: {  	v3 =	vadd.f32 v3, v14;
	v16 =	vand.u32 $0xFFFF0000, v16;
	v11 =	vadd.f32 v15, v11  }
0x9b: {  	v9 =	vadd.f32 v16, v9;
	v15 =	vshll.u32 v20, $0x10;
	v5 =	vadd.f32 v6, v5  }
0x9c: {  	[tilespmem:s0+$0x14880] =	vst v8;
	v6 =	vadd.f32 v18, v10;
	v10 =	vadd.f32 v15, v11;
	v11 =	vand.u32 $0xFFFF0000, v23  }
0x9d: {  	[tilespmem:s0+$0x148C0] =	vst v3;
	v15 =	vshll.u32 v13, $0x10;
	v1 =	vadd.f32 v1, v5;
	v5 =	vadd.f32 v11, v9  }
0x9e: {  	[tilespmem:s0+$0x14890] =	vst v7;
	v4 =	vadd.f32 v4, v6;
	v6 =	vand.u32 $0xFFFF0000, v20;
	v8 =	vadd.f32 v15, v10  }
0x9f: {  	[tilespmem:s0+$0x148A0] =	vst v1;
	v1 =	vadd.f32 v2, v12;
	v2 =	vadd.f32 v6, v5  }
0xa0: {  	v0 =	vadd.f32 v0, v4;
	v4 =	vand.u32 $0xFFFF0000, v13;
	[tilespmem:s0+$0x148B0] =	vst v8  }
0xa1: {  	[tilespmem:s0+$0x148D0] =	vst v1;
	v2 =	vadd.f32 v4, v2  }
0xa2: {  	[tilespmem:s0+$0x148E0] =	vst v0  }
0xa3: {  	s11 =	simm.s32 @!p0 $0x60;
	s12 =	simm.s32 @!p0 $0xB200;
	s9 =	sadd.s32 @!p0 $0x500, s1;
	[tilespmem:s0+$0x148F0] =	vst v2  }
0xa4: {  	[tilespmem:s12], [sflag:$0x2] =	stream.indirect.gather @!p0 [hbm4b:s3+s11], $0x40, s9, s11, $0xb8;
	[tilespmem:$0x18800] =	vst v63  }
0xa5: {  	s9 =	sadd.s32 @!p0 $0x580, s1;
	s11 =	simm.s32 @!p0 $0x68;
	s12 =	simm.s32 @!p0 $0xCA00  }
0xa6: {  	[tilespmem:s12], [sflag:$0x2] =	stream.indirect.gather @!p0 [hbm4b:s3+s11], $0x40, s9, s11, $0xb8;
	[tilespmem:$0x18800] =	vst v63  }
0xa7: {  	_ =	swait.ge [sflag:s25], $0x1800  }
0xa8: {  	[sflag:s25] =	ssyncset.done $0x0  }
0xa9: {  	[sflag:s25] =	ssyncadd.s32 $0xFFFFE800  }
0xaa: {  	_ =	swait.ge [sflag:s25], $0x1A00  }
0xab: {  	[sflag:s25] =	ssyncset.done $0x0  }
0xac: {  	s9 =	simm.s32 $0x0;
	[sflag:s25] =	ssyncadd.s32 $0xFFFFE600  }
0xad: {  	v0 =	vld [tilespmem:s9+$0xE4C0]  }
0xae: {  	v1 =	vld [tilespmem:s9+$0xE4D0]  }
0xaf: {  	v4 =	vld [tilespmem:s9+$0xE4E0]  }
0xb0: {  	v6 =	vld [tilespmem:s9+$0xE480]  }
0xb1: {  	v9 =	vld [tilespmem:s9+$0xE490]  }
0xb2: {  	v10 =	vld [tilespmem:s9+$0xE4A0]  }
0xb3: {  	v11 =	vld [tilespmem:s9+$0xE440]  }
0xb4: {  	v16 =	vld [tilespmem:s9+$0xE400]  }
0xb5: {  	v5 =	vimm.f32 $0.0e+00;
	v17 =	vld [tilespmem:s9+$0xE410];
	v8 =	vshll.u32 v0, $0x10;
	v3 =	vand.u32 $0xFFFF0000, v0  }
0xb6: {  	v7 =	vshll.u32 v1, $0x10;
	v2 =	vand.u32 $0xFFFF0000, v1;
	v1 =	vshll.u32 v4, $0x10  }
0xb7: {  	v24 =	vld [tilespmem:s9+$0xE450];
	v13 =	vshll.u32 v6, $0x10;
	v14 =	vand.u32 $0xFFFF0000, v6;
	v0 =	vand.u32 $0xFFFF0000, v4  }
0xb8: {  	v15 =	vshll.u32 v9, $0x10;
	v12 =	vand.u32 $0xFFFF0000, v9;
	v6 =	vshll.u32 v10, $0x10  }
0xb9: {  	v9 =	vshll.u32 v11, $0x10;
	v11 =	vand.u32 $0xFFFF0000, v11;
	v4 =	vand.u32 $0xFFFF0000, v10  }
0xba: {  	v18 =	vld [tilespmem:s9+$0xE460];
	v10 =	vshll.u32 v16, $0x10;
	v16 =	vand.u32 $0xFFFF0000, v16;
	v19 =	vshll.u32 v17, $0x10  }
0xbb: {  	v17 =	vand.u32 $0xFFFF0000, v17;
	v10 =	vadd.f32 v10, v5;
	v16 =	vadd.f32 v16, v5  }
0xbc: {  	v23 =	vshll.u32 v24, $0x10;
	v21 =	vadd.f32 v19, v5;
	v22 =	vadd.f32 v17, v5;
	v17 =	vld [tilespmem:s9+$0xE420]  }
0xbd: {  	v24 =	vand.u32 $0xFFFF0000, v24;
	v19 =	vadd.f32 v9, v10;
	v20 =	vadd.f32 v11, v16  }
0xbe: {  	s11 =	simm.s32 $0x400;
	v16 =	vld [tilespmem:s9+$0xE430];
	v10 =	vimm.f32 $0.0e+00;
	v11 =	vimm.f32 $0.0e+00;
	v9 =	vimm.f32 $0.0e+00  }
.LBB2_7:
0xbf: {  	p1 =	sne.s32 s11, $0xC400;
	v21 =	vadd.f32 v23, v21;
	v22 =	vadd.f32 v24, v22;
	v23 =	vshll.u32 v18, $0x10  }
0xc0: {  	v18 =	vand.u32 $0xFFFF0000, v18;
	v24 =	vld [tilespmem:s9+$0xE470];
	v13 =	vadd.f32 v13, v19;
	v14 =	vadd.f32 v14, v20  }
0xc1: {  	v19 =	vshll.u32 v17, $0x10;
	v15 =	vadd.f32 v15, v21;
	v12 =	vadd.f32 v12, v22  }
0xc2: {  	s12 =	sshra.s32 s11, $0x2;
	v17 =	vand.u32 $0xFFFF0000, v17;
	v20 =	vld [tilespmem:s9+$0xE4B0];
	v21 =	vadd.f32 v8, v13;
	v22 =	vadd.f32 v3, v14  }
0xc3: {  	v3 =	vld [tilespmem:s12+$0xE4C0];
	v8 =	vshll.u32 v16, $0x10;
	v25 =	vadd.f32 v7, v15;
	v26 =	vadd.f32 v2, v12  }
0xc4: {  	v2 =	vadd.f32 v19, v5;
	v5 =	vadd.f32 v17, v10;
	v7 =	vand.u32 $0xFFFF0000, v16;
	v12 =	vld [tilespmem:s9+$0xE4F0];
	s9 =	smov.u32 s12  }
0xc5: {  	v8 =	vadd.f32 v8, v11;
	v7 =	vadd.f32 v7, v9;
	v13 =	vld [tilespmem:s9+$0xE4D0];
	v9 =	vshll.u32 v24, $0x10  }
0xc6: {  	v2 =	vadd.f32 v23, v2;
	v5 =	vadd.f32 v18, v5;
	v10 =	vand.u32 $0xFFFF0000, v24;
	v15 =	vld [tilespmem:s9+$0xE4E0]  }
0xc7: {  	v8 =	vadd.f32 v9, v8;
	v7 =	vadd.f32 v10, v7;
	v14 =	vld [tilespmem:s9+$0xE480];
	v9 =	vshll.u32 v20, $0x10  }
0xc8: {  	v2 =	vadd.f32 v6, v2;
	v4 =	vadd.f32 v4, v5;
	v5 =	vand.u32 $0xFFFF0000, v20;
	v16 =	vld [tilespmem:s9+$0xE490]  }
0xc9: {  	v6 =	vadd.f32 v9, v8;
	v7 =	vadd.f32 v5, v7;
	v17 =	vld [tilespmem:s9+$0xE4A0];
	v8 =	vshll.u32 v12, $0x10  }
0xca: {  	v5 =	vadd.f32 v1, v2;
	v10 =	vadd.f32 v0, v4;
	v0 =	vand.u32 $0xFFFF0000, v12;
	v18 =	vld [tilespmem:s9+$0xE440]  }
0xcb: {  	v11 =	vadd.f32 v8, v6;
	v9 =	vadd.f32 v0, v7;
	v19 =	vld [tilespmem:s9+$0xE400]  }
0xcc: {  	v8 =	vshll.u32 v3, $0x10;
	v3 =	vand.u32 $0xFFFF0000, v3;
	v20 =	vld [tilespmem:s9+$0xE410]  }
0xcd: {  	v7 =	vshll.u32 v13, $0x10;
	v2 =	vand.u32 $0xFFFF0000, v13;
	v1 =	vshll.u32 v15, $0x10  }
0xce: {  	v0 =	vand.u32 $0xFFFF0000, v15;
	v13 =	vshll.u32 v14, $0x10;
	v14 =	vand.u32 $0xFFFF0000, v14;
	v24 =	vld [tilespmem:s9+$0xE450]  }
0xcf: {  	v15 =	vshll.u32 v16, $0x10;
	v12 =	vand.u32 $0xFFFF0000, v16;
	v6 =	vshll.u32 v17, $0x10  }
.Ltmp2:
0xd0: {  	v4 =	vand.u32 $0xFFFF0000, v17;
	v27 =	vshll.u32 v18, $0x10;
	v28 =	vand.u32 $0xFFFF0000, v18;
	v18 =	vld [tilespmem:s9+$0xE460];
	(pc) =	sbr.rel @p1 .LBB2_7-.Ltmp2, $4  }
0xd1: {  	v16 =	vshll.u32 v19, $0x10;
	v17 =	vand.u32 $0xFFFF0000, v19;
	v19 =	vshll.u32 v20, $0x10  }
0xd2: {  	v29 =	vadd.f32 v16, v21;
	v30 =	vadd.f32 v17, v22;
	v16 =	vand.u32 $0xFFFF0000, v20;
	v17 =	vld [tilespmem:s9+$0xE420]  }
0xd3: {  	v21 =	vadd.f32 v19, v25;
	v22 =	vadd.f32 v16, v26;
	v23 =	vshll.u32 v24, $0x10  }
0xd4: {  	s11 =	sadd.s32 $0x400, s11;
	v19 =	vadd.f32 v27, v29;
	v20 =	vadd.f32 v28, v30;
	v24 =	vand.u32 $0xFFFF0000, v24;
	v16 =	vld [tilespmem:s9+$0xE430]  }
0xd5: {  	_ = 	snop  }
0xd6: {  	v21 =	vadd.f32 v23, v21;
	v22 =	vadd.f32 v24, v22;
	v23 =	vld [tilespmem:s9+$0xE470];
	v24 =	vshll.u32 v18, $0x10  }
0xd7: {  	v13 =	vadd.f32 v13, v19;
	v14 =	vadd.f32 v14, v20;
	v19 =	vshll.u32 v17, $0x10  }
0xd8: {  	v20 =	vld [tilespmem:s9+$0xE4B0];
	v15 =	vadd.f32 v15, v21;
	v12 =	vadd.f32 v12, v22;
	v17 =	vand.u32 $0xFFFF0000, v17  }
0xd9: {  	v5 =	vadd.f32 v19, v5;
	v8 =	vadd.f32 v8, v13;
	v21 =	vshll.u32 v16, $0x10  }
0xda: {  	v18 =	vand.u32 $0xFFFF0000, v18;
	v13 =	vld [tilespmem:s9+$0xE4F0];
	v10 =	vadd.f32 v17, v10;
	v11 =	vadd.f32 v21, v11  }
0xdb: {  	v7 =	vadd.f32 v7, v15;
	v15 =	vshll.u32 v23, $0x10;
	v5 =	vadd.f32 v24, v5  }
0xdc: {  	v3 =	vadd.f32 v3, v14;
	v16 =	vand.u32 $0xFFFF0000, v16;
	v11 =	vadd.f32 v15, v11  }
0xdd: {  	v9 =	vadd.f32 v16, v9;
	v15 =	vshll.u32 v20, $0x10;
	v5 =	vadd.f32 v6, v5  }
0xde: {  	[tilespmem:s0+$0x14900] =	vst v8;
	v6 =	vadd.f32 v18, v10;
	v10 =	vadd.f32 v15, v11;
	v11 =	vand.u32 $0xFFFF0000, v23  }
0xdf: {  	[tilespmem:s0+$0x14940] =	vst v3;
	v15 =	vshll.u32 v13, $0x10;
	v1 =	vadd.f32 v1, v5;
	v5 =	vadd.f32 v11, v9  }
0xe0: {  	[tilespmem:s0+$0x14910] =	vst v7;
	v4 =	vadd.f32 v4, v6;
	v6 =	vand.u32 $0xFFFF0000, v20;
	v8 =	vadd.f32 v15, v10  }
0xe1: {  	[tilespmem:s0+$0x14920] =	vst v1;
	v1 =	vadd.f32 v2, v12;
	v2 =	vadd.f32 v6, v5  }
0xe2: {  	v0 =	vadd.f32 v0, v4;
	v4 =	vand.u32 $0xFFFF0000, v13;
	[tilespmem:s0+$0x14930] =	vst v8  }
0xe3: {  	[tilespmem:s0+$0x14950] =	vst v1;
	v2 =	vadd.f32 v4, v2  }
0xe4: {  	[tilespmem:s0+$0x14960] =	vst v0  }
0xe5: {  	s11 =	simm.s32 @!p0 $0xE400;
	s9 =	simm.s32 @!p0 $0x60;
	[tilespmem:s0+$0x14970] =	vst v2;
	s0 =	sadd.s32 @!p0 $0x600, s1  }
0xe6: {  	[tilespmem:s11], [sflag:$0x3] =	stream.indirect.gather @!p0 [hbm4b:s3+s9], $0x40, s0, s9, $0xb8;
	[tilespmem:$0x18800] =	vst v63  }
0xe7: {  	s0 =	sadd.s32 @!p0 $0x680, s1;
	s1 =	simm.s32 @!p0 $0x68;
	s9 =	simm.s32 @!p0 $0xFC00  }
0xe8: {  	[tilespmem:s9], [sflag:$0x3] =	stream.indirect.gather @!p0 [hbm4b:s3+s1], $0x40, s0, s1, $0xb8;
	[tilespmem:$0x18800] =	vst v63  }
0xe9: {  	_ =	swait.ge [sflag:s26], $0x1800  }
0xea: {  	[sflag:s26] =	ssyncset.done $0x0  }
0xeb: {  	[sflag:s26] =	ssyncadd.s32 $0xFFFFE800  }
0xec: {  	_ =	swait.ge [sflag:s26], $0x1A00  }
0xed: {  	[sflag:s26] =	ssyncset.done $0x0  }
0xee: {  	s0 =	simm.s32 $0x0;
	[sflag:s26] =	ssyncadd.s32 $0xFFFFE600  }
0xef: {  	v0 =	vld [tilespmem:s0+$0x116C0]  }
0xf0: {  	v1 =	vld [tilespmem:s0+$0x116D0]  }
0xf1: {  	v4 =	vld [tilespmem:s0+$0x116E0]  }
0xf2: {  	v6 =	vld [tilespmem:s0+$0x11680]  }
0xf3: {  	v9 =	vld [tilespmem:s0+$0x11690]  }
0xf4: {  	v10 =	vld [tilespmem:s0+$0x116A0]  }
0xf5: {  	v11 =	vld [tilespmem:s0+$0x11640]  }
0xf6: {  	v16 =	vld [tilespmem:s0+$0x11600]  }
0xf7: {  	v5 =	vimm.f32 $0.0e+00;
	v17 =	vld [tilespmem:s0+$0x11610];
	v8 =	vshll.u32 v0, $0x10;
	v3 =	vand.u32 $0xFFFF0000, v0  }
0xf8: {  	v7 =	vshll.u32 v1, $0x10;
	v2 =	vand.u32 $0xFFFF0000, v1;
	v1 =	vshll.u32 v4, $0x10  }
0xf9: {  	v24 =	vld [tilespmem:s0+$0x11650];
	v13 =	vshll.u32 v6, $0x10;
	v14 =	vand.u32 $0xFFFF0000, v6;
	v0 =	vand.u32 $0xFFFF0000, v4  }
0xfa: {  	v15 =	vshll.u32 v9, $0x10;
	v12 =	vand.u32 $0xFFFF0000, v9;
	v6 =	vshll.u32 v10, $0x10  }
0xfb: {  	v9 =	vshll.u32 v11, $0x10;
	v11 =	vand.u32 $0xFFFF0000, v11;
	v4 =	vand.u32 $0xFFFF0000, v10  }
0xfc: {  	v18 =	vld [tilespmem:s0+$0x11660];
	v10 =	vshll.u32 v16, $0x10;
	v16 =	vand.u32 $0xFFFF0000, v16;
	v19 =	vshll.u32 v17, $0x10  }
0xfd: {  	v17 =	vand.u32 $0xFFFF0000, v17;
	v10 =	vadd.f32 v10, v5;
	v16 =	vadd.f32 v16, v5  }
0xfe: {  	v23 =	vshll.u32 v24, $0x10;
	v21 =	vadd.f32 v19, v5;
	v22 =	vadd.f32 v17, v5;
	v17 =	vld [tilespmem:s0+$0x11620]  }
0xff: {  	v24 =	vand.u32 $0xFFFF0000, v24;
	v19 =	vadd.f32 v9, v10;
	v20 =	vadd.f32 v11, v16  }
0x100: {  	s1 =	simm.s32 $0x400;
	v16 =	vld [tilespmem:s0+$0x11630];
	v10 =	vimm.f32 $0.0e+00;
	v11 =	vimm.f32 $0.0e+00;
	v9 =	vimm.f32 $0.0e+00  }
.LBB2_9:
0x101: {  	p0 =	sne.s32 s1, $0xC400;
	v21 =	vadd.f32 v23, v21;
	v22 =	vadd.f32 v24, v22;
	v23 =	vshll.u32 v18, $0x10  }
0x102: {  	v18 =	vand.u32 $0xFFFF0000, v18;
	v24 =	vld [tilespmem:s0+$0x11670];
	v13 =	vadd.f32 v13, v19;
	v14 =	vadd.f32 v14, v20  }
0x103: {  	v19 =	vshll.u32 v17, $0x10;
	v15 =	vadd.f32 v15, v21;
	v12 =	vadd.f32 v12, v22  }
0x104: {  	s9 =	sshra.s32 s1, $0x2;
	v17 =	vand.u32 $0xFFFF0000, v17;
	v20 =	vld [tilespmem:s0+$0x116B0];
	v21 =	vadd.f32 v8, v13;
	v22 =	vadd.f32 v3, v14  }
0x105: {  	v3 =	vld [tilespmem:s9+$0x116C0];
	v8 =	vshll.u32 v16, $0x10;
	v25 =	vadd.f32 v7, v15;
	v26 =	vadd.f32 v2, v12  }
0x106: {  	v2 =	vadd.f32 v19, v5;
	v5 =	vadd.f32 v17, v10;
	v7 =	vand.u32 $0xFFFF0000, v16;
	v12 =	vld [tilespmem:s0+$0x116F0];
	s0 =	smov.u32 s9  }
0x107: {  	v8 =	vadd.f32 v8, v11;
	v7 =	vadd.f32 v7, v9;
	v13 =	vld [tilespmem:s0+$0x116D0];
	v9 =	vshll.u32 v24, $0x10  }
0x108: {  	v2 =	vadd.f32 v23, v2;
	v5 =	vadd.f32 v18, v5;
	v10 =	vand.u32 $0xFFFF0000, v24;
	v15 =	vld [tilespmem:s0+$0x116E0]  }
0x109: {  	v8 =	vadd.f32 v9, v8;
	v7 =	vadd.f32 v10, v7;
	v14 =	vld [tilespmem:s0+$0x11680];
	v9 =	vshll.u32 v20, $0x10  }
0x10a: {  	v2 =	vadd.f32 v6, v2;
	v4 =	vadd.f32 v4, v5;
	v5 =	vand.u32 $0xFFFF0000, v20;
	v16 =	vld [tilespmem:s0+$0x11690]  }
0x10b: {  	v6 =	vadd.f32 v9, v8;
	v7 =	vadd.f32 v5, v7;
	v17 =	vld [tilespmem:s0+$0x116A0];
	v8 =	vshll.u32 v12, $0x10  }
0x10c: {  	v5 =	vadd.f32 v1, v2;
	v10 =	vadd.f32 v0, v4;
	v0 =	vand.u32 $0xFFFF0000, v12;
	v18 =	vld [tilespmem:s0+$0x11640]  }
0x10d: {  	v11 =	vadd.f32 v8, v6;
	v9 =	vadd.f32 v0, v7;
	v19 =	vld [tilespmem:s0+$0x11600]  }
0x10e: {  	v8 =	vshll.u32 v3, $0x10;
	v3 =	vand.u32 $0xFFFF0000, v3;
	v20 =	vld [tilespmem:s0+$0x11610]  }
0x10f: {  	v7 =	vshll.u32 v13, $0x10;
	v2 =	vand.u32 $0xFFFF0000, v13;
	v1 =	vshll.u32 v15, $0x10  }
0x110: {  	v0 =	vand.u32 $0xFFFF0000, v15;
	v13 =	vshll.u32 v14, $0x10;
	v14 =	vand.u32 $0xFFFF0000, v14;
	v24 =	vld [tilespmem:s0+$0x11650]  }
0x111: {  	v15 =	vshll.u32 v16, $0x10;
	v12 =	vand.u32 $0xFFFF0000, v16;
	v6 =	vshll.u32 v17, $0x10  }
.Ltmp3:
0x112: {  	v4 =	vand.u32 $0xFFFF0000, v17;
	v27 =	vshll.u32 v18, $0x10;
	v28 =	vand.u32 $0xFFFF0000, v18;
	v18 =	vld [tilespmem:s0+$0x11660];
	(pc) =	sbr.rel @p0 .LBB2_9-.Ltmp3, $4  }
0x113: {  	v16 =	vshll.u32 v19, $0x10;
	v17 =	vand.u32 $0xFFFF0000, v19;
	v19 =	vshll.u32 v20, $0x10  }
0x114: {  	v29 =	vadd.f32 v16, v21;
	v30 =	vadd.f32 v17, v22;
	v16 =	vand.u32 $0xFFFF0000, v20;
	v17 =	vld [tilespmem:s0+$0x11620]  }
0x115: {  	v21 =	vadd.f32 v19, v25;
	v22 =	vadd.f32 v16, v26;
	v23 =	vshll.u32 v24, $0x10  }
0x116: {  	s1 =	sadd.s32 $0x400, s1;
	v19 =	vadd.f32 v27, v29;
	v20 =	vadd.f32 v28, v30;
	v24 =	vand.u32 $0xFFFF0000, v24;
	v16 =	vld [tilespmem:s0+$0x11630]  }
0x117: {  	v21 =	vadd.f32 v23, v21;
	v22 =	vadd.f32 v24, v22  }
0x118: {  	v44 =	vshll.u32 v18, $0x10;
	v13 =	vadd.f32 v13, v19;
	v14 =	vadd.f32 v14, v20  }
0x119: {  	v43 =	vld [tilespmem:s0+$0x11670];
	v46 =	vshll.u32 v17, $0x10;
	v15 =	vadd.f32 v15, v21;
	v12 =	vadd.f32 v12, v22  }
0x11a: {  	v49 =	vand.u32 $0xFFFF0000, v17;
	v5 =	vadd.f32 v46, v5;
	v8 =	vadd.f32 v8, v13  }
0x11b: {  	v45 =	vand.u32 $0xFFFF0000, v18;
	v47 =	vld [tilespmem:s0+$0x116B0];
	v10 =	vadd.f32 v49, v10;
	v3 =	vadd.f32 v3, v14  }
0x11c: {  	v48 =	vshll.u32 v16, $0x10;
	v7 =	vadd.f32 v7, v15;
	v61 =	vadd.f32 v2, v12  }
0x11d: {  	v50 =	vld [tilespmem:s0+$0x116F0];
	s31 =	sshll.u32 s31, $0x7;
	v52 =	vand.u32 $0xFFFF0000, v16;
	v11 =	vadd.f32 v48, v11;
	v5 =	vadd.f32 v44, v5  }
0x11e: {  	s0 =	sand.u32 $0x3FFFFF80, s31;
	v51 =	vshll.u32 v43, $0x10;
	v9 =	vadd.f32 v52, v9;
	v54 =	vadd.f32 v45, v10  }
0x11f: {  	v56 =	vand.u32 $0xFFFF0000, v43;
	[tilespmem:s0+$0x14800] =	vst v8;
	v11 =	vadd.f32 v51, v11;
	v5 =	vadd.f32 v6, v5  }
0x120: {  	s30 =	sadd.s32 $0x1, s30;
	v53 =	vshll.u32 v47, $0x10;
	[tilespmem:s0+$0x14840] =	vst v3;
	v58 =	vadd.f32 v56, v9;
	v4 =	vadd.f32 v4, v54  }
0x121: {  	p0 =	sne.s32 s30, $0x20;
	v60 =	vand.u32 $0xFFFF0000, v47;
	[tilespmem:s0+$0x14810] =	vst v7;
	v55 =	vadd.f32 v53, v11;
	v1 =	vadd.f32 v1, v5  }
.Ltmp4:
0x122: {  	v57 =	vshll.u32 v50, $0x10;
	[tilespmem:s0+$0x14850] =	vst v61;
	v62 =	vadd.f32 v60, v58;
	v0 =	vadd.f32 v0, v4;
	(pc) =	sbr.rel @p0 .LBB2_2-.Ltmp4, $4  }
0x123: {  	v63 =	vand.u32 $0xFFFF0000, v50;
	v59 =	vadd.f32 v57, v55;
	[tilespmem:s0+$0x14820] =	vst v1  }
0x124: {  	v2 =	vadd.f32 v63, v62;
	[tilespmem:s0+$0x14860] =	vst v0  }
0x125: {  	[tilespmem:s0+$0x14830] =	vst v59  }
0x126: {  	[tilespmem:s0+$0x14870] =	vst v2  }
0x127: {  	s29 =	sadd.s32 $0x1, s29  }
0x128: {  	p0 =	sne.s32 s29, s6  }
.Ltmp5:
0x129: {  	_ = 	snop;
	(pc) =	sbr.rel @p0 .LBB2_1-.Ltmp5, $4  }
0x12a: {  	[hbm4b:s5+s2] =	stream.linear.scatter [tilespmem:s28], [sflag:$0x5], $0x4000, $0x38;
	[tilespmem:$0x18800] =	vst v63  }
0x12b: {  	_ =	swait.ge [sflag:s7], $0x4000  }
0x12c: {  	[sflag:s7] =	ssyncset.done $0x0  }
0x12d: {  	[sflag:s7] =	ssyncadd.s32 $0xFFFFC000  }
0x12e: {  	_ =	sfence.sel $0x180000  }
0x12f: {  	[bflag:$0x0] =	sbarrier.arrive $0xFFFF  }
0x130: {  	_ =	strace $0x90000047  }
0x131: {  	s0 =	stileid.u32;
	[bflag:$0x2] =	sbarrier.arrive $0xFFFF  }
0x132: {  	p0 =	sne.s32 s0, $0x0;
	s0 =	rddreg [dreg:$0x1]  }
0x133: {  	s0 =	sadd.s32 @!p0 $0x100000, s0  }
0x134: {  	[sflag:s0] =	ssyncadd.tile.s32 @!p0 $0x1;
	_ =	shalt  }
.Lfunc_end2:
_tile_overlayer_lowered:
.L_overlay_start_2:
0x135: {  	(tag) =	ssettag $0x2  }
0x136: {  	s0 =	rddreg [dreg:$0x0];
	s2 =	stileid.u32  }
0x137: {  	s1 =	rddreg [dreg:$0x1];
	p0 =	sne.s32 s2, $0x0  }
0x138: {  	s3 =	rddreg [dreg:$0x2];
	[bflag:$0x3] =	sbarrier.arrive $0xFFFF;
	s2 =	simm.s32 @!p0 $0x1C05  }
0x139: {  	[timem:s3], [sflag:s2] =	dma.local @!p0 [hbm:s0], s1  }
0x13a: {  	s0 =	simm.s32 @!p0 $0x5  }
0x13b: {  	_ =	swait.ge @!p0 [sflag:s0], s1  }
0x13c: {  	s1 =	ssub.s32 @!p0 $0x0, s1;
	[sflag:s0] =	ssyncset.done @!p0 $0x0  }
0x13d: {  	[sflag:s0] =	ssyncadd.s32 @!p0 s1  }
0x13e: {  	[bflag:$0x3] =	sbarrier.arrive $0xFFFF  }
0x13f: {  	_ =	shalt  }

</sc_bundles>
